<compile_context>
chip_gen: v7x
topology: tpu7x:2x2x1
jax: 0.10.2.dev20260603
libtpu: 0.0.44.dev20260713+nightly
codegen_flags: <defaults>
</compile_context>

<pallas_src>
import functools

import jax
import jax.numpy as jnp
from jax import lax
from jax.experimental import pallas as pl
from jax.experimental.pallas import tpu as pltpu
from jax.experimental.pallas import tpu_sc as plsc

N_NODES = 10000
N_EDGES = 320000
D = 128

NC = 2
NS = 16
E_TILE = N_EDGES // (NC * NS)
CHUNK = 80
NCHUNK = E_TILE // CHUNK
N_PAD = 10112
RPT = N_PAD // NS
ZC = 79

_MESH = plsc.VectorSubcoreMesh(core_axis_name="c", subcore_axis_name="s")


@functools.partial(
    pl.kernel,
    out_type=jax.ShapeDtypeStruct((NC, N_PAD, 16), jnp.float32),
    mesh=_MESH,
    scratch_types=[
        pltpu.VMEM_SHARED((N_PAD, 16), jnp.float32),
        pltpu.VMEM((NCHUNK, CHUNK), jnp.int32),
        pltpu.VMEM((RPT, 16), jnp.float32),
        pltpu.SemaphoreType.DMA,
    ],
)
def _deg_sc(dst_hbm, out_hbm, hist_sh, idx_v, stage_v, sem):
    c = lax.axis_index("c")
    s = lax.axis_index("s")

    def zrow(i, carry):
        stage_v[i] = jnp.zeros((16,), jnp.float32)
        return carry

    lax.fori_loop(0, RPT, zrow, 0)
    pltpu.sync_copy(stage_v, hist_sh.at[pl.ds(s * RPT, RPT)])
    pltpu.sync_copy(dst_hbm.at[c, s], idx_v)

    def orow(i, carry):
        stage_v[i] = jnp.ones((16,), jnp.float32)
        return carry

    lax.fori_loop(0, CHUNK, orow, 0)
    plsc.subcore_barrier()

    def body(j, carry):
        pltpu.sync_copy(
            stage_v.at[pl.ds(0, CHUNK)], hist_sh.at[idx_v.at[j]], add=True
        )
        return carry

    lax.fori_loop(0, NCHUNK, body, 0)
    plsc.subcore_barrier()
    pltpu.sync_copy(
        hist_sh.at[pl.ds(s * RPT, RPT)], out_hbm.at[c, pl.ds(s * RPT, RPT)]
    )


@functools.partial(
    pl.kernel,
    out_type=jax.ShapeDtypeStruct((NC, N_PAD, D), jnp.float32),
    mesh=_MESH,
    scratch_types=[
        pltpu.VMEM_SHARED((N_PAD, D), jnp.float32),
        pltpu.VMEM((E_TILE,), jnp.int32),
        pltpu.VMEM((NCHUNK, CHUNK), jnp.int32),
        pltpu.VMEM((CHUNK, D), jnp.float32),
        pltpu.VMEM((CHUNK, D), jnp.float32),
        pltpu.SemaphoreType.DMA,
        pltpu.SemaphoreType.DMA,
    ],
)
def _edge_sc(g_hbm, src_hbm, dst_hbm, out_hbm, acc_sh, sidx_v, didx_v,
             rows0_v, rows1_v, sem0, sem1):
    c = lax.axis_index("c")
    s = lax.axis_index("s")

    w = c * NS + s
    pltpu.async_copy(src_hbm.at[pl.ds(w * E_TILE, E_TILE)], sidx_v, sem0)

    pltpu.async_copy(dst_hbm.at[c, s], didx_v, sem1)

    def zrow(j, carry):
        rows0_v[j // 8, pl.ds(16 * (j % 8), 16)] = jnp.zeros(
            (16,), jnp.float32
        )
        return carry

    lax.fori_loop(0, CHUNK * 8, zrow, 0)

    def zcopy(r, carry):
        pltpu.sync_copy(
            rows0_v.at[pl.ds(0, ZC)], acc_sh.at[pl.ds(s * RPT + r * ZC, ZC)]
        )
        return carry

    lax.fori_loop(0, RPT // ZC, zcopy, 0)

    pltpu.make_async_copy(
        src_hbm.at[pl.ds(w * E_TILE, E_TILE)], sidx_v, sem0
    ).wait()
    pltpu.make_async_copy(dst_hbm.at[c, s], didx_v, sem1).wait()
    plsc.subcore_barrier()

    def start(j, rows, sem):
        pltpu.async_copy(
            g_hbm.at[sidx_v.at[pl.ds(j * CHUNK, CHUNK)]], rows, sem
        )

    def finish(j, rows, sem):
        pltpu.make_async_copy(
            g_hbm.at[sidx_v.at[pl.ds(j * CHUNK, CHUNK)]], rows, sem
        ).wait()
        pltpu.sync_copy(rows, acc_sh.at[didx_v.at[j]], add=True)

    start(0, rows0_v, sem0)

    def body(i, carry):
        j = 2 * i

        @pl.when(j + 1 < NCHUNK)
        def _():
            start(j + 1, rows1_v, sem1)

        finish(j, rows0_v, sem0)

        @pl.when(j + 2 < NCHUNK)
        def _():
            start(j + 2, rows0_v, sem0)

        @pl.when(j + 1 < NCHUNK)
        def _():
            finish(j + 1, rows1_v, sem1)

        return carry

    lax.fori_loop(0, (NCHUNK + 1) // 2, body, 0)
    plsc.subcore_barrier()
    pltpu.sync_copy(
        acc_sh.at[pl.ds(s * RPT, RPT)], out_hbm.at[c, pl.ds(s * RPT, RPT)]
    )


_BLK = 2000
_NBLK = N_NODES // _BLK


def _dinv_of(degp_ref):
    deg = degp_ref[0][:, 0:1] + degp_ref[1][:, 0:1] + 1.0
    return lax.rsqrt(deg)


def _tcmm_body(x_ref, w_ref, h_ref):
    h_ref[...] = jnp.dot(
        x_ref[...], w_ref[...], preferred_element_type=jnp.float32
    )


def _tcs_body(h_ref, degp_ref, g_ref):
    g_ref[...] = h_ref[...] * _dinv_of(degp_ref)


def _tcb_body(sp_ref, g1_ref, degp_ref, b_ref, w_ref, g2_ref):
    dinv = _dinv_of(degp_ref)
    t = (sp_ref[0] + sp_ref[1] + g1_ref[...]) * dinv + b_ref[...]
    h2 = jnp.maximum(t, 0.0)
    g2_ref[...] = (
        jnp.dot(h2, w_ref[...], preferred_element_type=jnp.float32) * dinv
    )


def _tcc_body(sp_ref, g2_ref, degp_ref, b_ref, out_ref):
    dinv = _dinv_of(degp_ref)
    out_ref[...] = (sp_ref[0] + sp_ref[1] + g2_ref[...]) * dinv + b_ref[...]


_ROWS_SPEC = pl.BlockSpec((_BLK, D), lambda i: (i, 0))
_MAT_SPEC = pl.BlockSpec((D, D), lambda i: (0, 0))
_DEGP_SPEC = pl.BlockSpec((2, _BLK, 16), lambda i: (0, i, 0))
_PART_SPEC = pl.BlockSpec((2, _BLK, D), lambda i: (0, i, 0))
_BIAS_SPEC = pl.BlockSpec((1, D), lambda i: (0, 0))
_ROWS_OUT = jax.ShapeDtypeStruct((N_NODES, D), jnp.float32)

_tcmm = pl.pallas_call(
    _tcmm_body,
    grid=(_NBLK,),
    in_specs=[_ROWS_SPEC, _MAT_SPEC],
    out_specs=_ROWS_SPEC,
    out_shape=_ROWS_OUT,
)

_tcs = pl.pallas_call(
    _tcs_body,
    grid=(_NBLK,),
    in_specs=[_ROWS_SPEC, _DEGP_SPEC],
    out_specs=_ROWS_SPEC,
    out_shape=_ROWS_OUT,
)

_tcb = pl.pallas_call(
    _tcb_body,
    grid=(_NBLK,),
    in_specs=[_PART_SPEC, _ROWS_SPEC, _DEGP_SPEC, _BIAS_SPEC, _MAT_SPEC],
    out_specs=_ROWS_SPEC,
    out_shape=_ROWS_OUT,
)

_tcc = pl.pallas_call(
    _tcc_body,
    grid=(_NBLK,),
    in_specs=[_PART_SPEC, _ROWS_SPEC, _DEGP_SPEC, _BIAS_SPEC],
    out_specs=_ROWS_SPEC,
    out_shape=_ROWS_OUT,
)


def kernel(x, edge_index, W1, b1, W2, b2):
    ei = edge_index.astype(jnp.int32)
    src = ei[0]
    dst = ei[1].reshape(NC, NS, NCHUNK, CHUNK)
    b1r = b1.reshape(1, D)
    b2r = b2.reshape(1, D)

    degp = _deg_sc(dst)
    h1 = _tcmm(x, W1)
    g1 = _tcs(h1, degp)
    s1 = _edge_sc(g1, src, dst)
    g2 = _tcb(s1, g1, degp, b1r, W2)
    s2 = _edge_sc(g2, src, dst)
    out = _tcc(s2, g2, degp, b2r)
    return out

# --- scband reference (transcript-rebuilt; emitter-appended) ---
"""Pipeline reference for scband-graph-update-48893907697803 (READ-ONLY COPY).

The authoritative reference and input builder live on the scoring server;
editing this copy changes nothing except your own understanding.
"""

import jax, jax.numpy as jnp
import numpy as np

N_NODES = 10000
N_EDGES = 320000
D_IN = 128
D_HID = 128
D_OUT = 128


def setup_inputs(seed: int = 0) -> dict:
    key = jax.random.key(seed)
    k1, k2, k3, k4, k5, k6 = jax.random.split(key, 6)
    x = jax.random.normal(k1, (N_NODES, D_IN), dtype=jnp.float32)
    edge_index = jax.random.randint(k2, (2, N_EDGES), 0, N_NODES, dtype=jnp.int64)
    # GCNConv parameters (glorot-style scale)
    W1 = jax.random.normal(k3, (D_IN, D_HID), dtype=jnp.float32) * (1.0 / np.sqrt(D_IN))
    b1 = jnp.zeros((D_HID,), dtype=jnp.float32)
    W2 = jax.random.normal(k4, (D_HID, D_OUT), dtype=jnp.float32) * (1.0 / np.sqrt(D_HID))
    b2 = jnp.zeros((D_OUT,), dtype=jnp.float32)
    return {"x": x, "edge_index": edge_index, "W1": W1, "b1": b1, "W2": W2, "b2": b2}


def _gcn_conv(x, src, dst, W, b, n_nodes):
    # PyG GCNConv: symmetric normalization with added self-loops
    # x' = D^{-1/2} (A + I) D^{-1/2} x W + b
    sl = jnp.arange(n_nodes, dtype=src.dtype)
    src_sl = jnp.concatenate([src, sl])
    dst_sl = jnp.concatenate([dst, sl])
    deg = jnp.zeros((n_nodes,), dtype=x.dtype).at[dst_sl].add(1.0)
    deg_inv_sqrt = jnp.where(deg > 0, 1.0 / jnp.sqrt(deg), 0.0)
    norm = deg_inv_sqrt[src_sl] * deg_inv_sqrt[dst_sl]
    h = x @ W
    msg = h[src_sl] * norm[:, None]
    out = jnp.zeros((n_nodes, W.shape[1]), dtype=x.dtype).at[dst_sl].add(msg)
    return out + b


def reference(x, edge_index, W1, b1, W2, b2):
    src = edge_index[0]
    dst = edge_index[1]
    n_nodes = x.shape[0]
    q = _gcn_conv(x, src, dst, W1, b1, n_nodes)
    h = jax.nn.relu(q)
    out = _gcn_conv(h, src, dst, W2, b2, n_nodes)
    return out

if __name__ == "__main__":
    import jax
    _d = setup_inputs()
    print(jax.jit(kernel)(*tuple(_d.values())))

</pallas_src>

<mosaic_0001>
#map = affine_map<(d0, d1) -> (0, 0)>
#map1 = affine_map<(d0, d1) -> (0)>
#map2 = affine_map<(d0, d1) -> (0, 0, 0, 0)>
#map3 = affine_map<(d0, d1) -> (0, 0, 0)>
module attributes {stable_mosaic.version = 14 : i64} {
  func.func @_edge_sc(%arg0: i32, %arg1: i32, %arg2: memref<10000x128xf32, #tpu.memory_space<hbm>>, %arg3: memref<320000xi32, #tpu.memory_space<hbm>>, %arg4: memref<2x16x125x80xi32, #tpu.memory_space<hbm>>, %arg5: memref<2x10112x128xf32, #tpu.memory_space<hbm>>, %arg6: memref<10112x128xf32, #tpu.memory_space<vmem_shared>>, %arg7: memref<10000xi32, #tpu.memory_space<vmem>>, %arg8: memref<125x80xi32, #tpu.memory_space<vmem>>, %arg9: memref<80x128xf32, #tpu.memory_space<vmem>>, %arg10: memref<80x128xf32, #tpu.memory_space<vmem>>, %arg11: memref<!tpu.dma_semaphore, #tpu.memory_space<semaphore_mem>>, %arg12: memref<!tpu.dma_semaphore, #tpu.memory_space<semaphore_mem>>) attributes {dimension_semantics = [#tpu.dimension_semantics<core_parallel>, #tpu.dimension_semantics<subcore_parallel>], iteration_bounds = array<i64: 2, 16>, scalar_prefetch = 0 : i64, scratch_operands = 7 : i64, tpu.core_type = #tpu.core_type<sc_vector_subcore>, window_params = [{transform_indices = #map}, {transform_indices = #map1}, {transform_indices = #map2}, {transform_indices = #map3}]} {
    %mul3A = arith.constant 16 : i32
    %mul3A_0 = arith.muli %arg0, %mul3A : i32
    %add3A = arith.addi %mul3A_0, %arg1 : i32
    %mul3A_1 = arith.constant 10000 : i32
    %mul3A_2 = arith.muli %add3A, %mul3A_1 : i32
    %dma_start3A = tpu.memref_slice %arg3[%mul3A_2] : memref<320000xi32, #tpu.memory_space<hbm>> -> memref<10000xi32, #tpu.memory_space<hbm>>
    %dma_start3A_3 = tpu.memref_slice %arg3[%mul3A_2] : memref<320000xi32, #tpu.memory_space<hbm>> -> memref<10000xi32, #tpu.memory_space<hbm>>
    tpu.enqueue_dma source(%dma_start3A_3 : memref<10000xi32, #tpu.memory_space<hbm>>) target(%arg7 : memref<10000xi32, #tpu.memory_space<vmem>>) target_semaphore(%arg11 : memref<!tpu.dma_semaphore, #tpu.memory_space<semaphore_mem>>)
    %dma_start3A_4 = arith.constant 0 : i32
    %dma_start3A_5 = arith.constant 0 : i32
    %dma_start3A_6 = tpu.memref_slice %arg4[%arg0, %arg1, %dma_start3A_4, %dma_start3A_5] : memref<2x16x125x80xi32, #tpu.memory_space<hbm>> -> memref<1x1x125x80xi32, #tpu.memory_space<hbm>>
    %dma_start3A_7 = tpu.memref_squeeze %dma_start3A_6 : memref<1x1x125x80xi32, #tpu.memory_space<hbm>> -> memref<125x80xi32, #tpu.memory_space<hbm>>
    %dma_start3A_8 = arith.constant 0 : i32
    %dma_start3A_9 = arith.constant 0 : i32
    %dma_start3A_10 = tpu.memref_slice %arg4[%arg0, %arg1, %dma_start3A_8, %dma_start3A_9] : memref<2x16x125x80xi32, #tpu.memory_space<hbm>> -> memref<1x1x125x80xi32, #tpu.memory_space<hbm>>
    %dma_start3A_11 = tpu.memref_squeeze %dma_start3A_10 : memref<1x1x125x80xi32, #tpu.memory_space<hbm>> -> memref<125x80xi32, #tpu.memory_space<hbm>>
    tpu.enqueue_dma source(%dma_start3A_11 : memref<125x80xi32, #tpu.memory_space<hbm>>) target(%arg8 : memref<125x80xi32, #tpu.memory_space<vmem>>) target_semaphore(%arg12 : memref<!tpu.dma_semaphore, #tpu.memory_space<semaphore_mem>>)
    %scan3A = arith.constant 0 : i32
    %scan3A_12 = arith.constant 0 : i32
    %scan3A_13 = arith.constant 640 : i32
    %scan3A_14 = arith.addi %scan3A_12, %scan3A_13 : i32
    %scan3A_15 = arith.constant 1 : i32
    scf.for %scan3A_50 = %scan3A_12 to %scan3A_14 step %scan3A_15  : i32 {
      %broadcast_in_dim3A = arith.constant 0.000000e+00 : f32
      %broadcast_in_dim3A_51 = vector.broadcast %broadcast_in_dim3A : f32 to vector<16xf32>
      %jit3A = arith.constant 8 : i32
      %div3A = arith.divsi %scan3A_50, %jit3A : i32
      %sign3A = arith.constant 0 : i32
      %sign3A_52 = arith.cmpi sgt, %scan3A_50, %sign3A : i32
      %sign3A_53 = arith.extui %sign3A_52 : i1 to i32
      %sign3A_54 = arith.constant 0 : i32
      %sign3A_55 = arith.cmpi slt, %scan3A_50, %sign3A_54 : i32
      %sign3A_56 = arith.extui %sign3A_55 : i1 to i32
      %sign3A_57 = arith.subi %sign3A_53, %sign3A_56 : i32
      %sign3A_58 = arith.constant 0 : i32
      %sign3A_59 = arith.cmpi sgt, %jit3A, %sign3A_58 : i32
      %sign3A_60 = arith.extui %sign3A_59 : i1 to i32
      %sign3A_61 = arith.constant 0 : i32
      %sign3A_62 = arith.cmpi slt, %jit3A, %sign3A_61 : i32
      %sign3A_63 = arith.extui %sign3A_62 : i1 to i32
      %sign3A_64 = arith.subi %sign3A_60, %sign3A_63 : i32
      %ne3A = arith.cmpi ne, %sign3A_57, %sign3A_64 : i32
      %rem3A = arith.remsi %scan3A_50, %jit3A : i32
      %ne3A_65 = arith.constant 0 : i32
      %ne3A_66 = arith.cmpi ne, %rem3A, %ne3A_65 : i32
      %and3A = arith.andi %ne3A, %ne3A_66 : i1
      %sub3A = arith.constant 1 : i32
      %sub3A_67 = arith.subi %div3A, %sub3A : i32
      %select_n3A = arith.select %and3A, %sub3A_67, %div3A : i32
      %jit3A_68 = arith.constant 8 : i32
      %eq3A = arith.constant 0 : i32
      %eq3A_69 = arith.cmpi eq, %jit3A_68, %eq3A : i32
      %jit3A_70 = arith.constant 1 : i32
      %select_n3A_71 = arith.select %eq3A_69, %jit3A_70, %jit3A_68 : i32
      %rem3A_72 = arith.remsi %scan3A_50, %select_n3A_71 : i32
      %ne3A_73 = arith.constant 0 : i32
      %ne3A_74 = arith.cmpi ne, %rem3A_72, %ne3A_73 : i32
      %lt3A = arith.constant 0 : i32
      %lt3A_75 = arith.cmpi slt, %rem3A_72, %lt3A : i32
      %lt3A_76 = arith.constant 0 : i32
      %lt3A_77 = arith.cmpi slt, %select_n3A_71, %lt3A_76 : i32
      %ne3A_78 = arith.xori %lt3A_75, %lt3A_77 : i1
      %and3A_79 = arith.andi %ne3A_78, %ne3A_74 : i1
      %add3A_80 = arith.addi %rem3A_72, %select_n3A_71 : i32
      %select_n3A_81 = arith.select %and3A_79, %add3A_80, %rem3A_72 : i32
      %mul3A_82 = arith.constant 16 : i32
      %mul3A_83 = arith.muli %mul3A_82, %select_n3A_81 : i32
      %swap3A = arith.index_cast %select_n3A : i32 to index
      %swap3A_84 = arith.index_cast %mul3A_83 : i32 to index
      %swap3A_85 = tpu.vector_load %arg9[%swap3A, %swap3A_84] {strides = array<i32>} : memref<80x128xf32, #tpu.memory_space<vmem>>, vector<1x16xf32>,
      %swap3A_86 = vector.shape_cast %swap3A_85 : vector<1x16xf32> to vector<16xf32>
      %swap3A_87 = vector.shape_cast %broadcast_in_dim3A_51 : vector<16xf32> to vector<1x16xf32>
      tpu.vector_store %arg9[%swap3A, %swap3A_84], %swap3A_87 {strides = array<i32>} : memref<80x128xf32, #tpu.memory_space<vmem>>, vector<1x16xf32>,
    }
    %scan3A_16 = arith.constant 640 : i32
    %scan3A_17 = arith.constant 0 : i32
    %scan3A_18 = arith.constant 0 : i32
    %scan3A_19 = arith.constant 8 : i32
    %scan3A_20 = arith.addi %scan3A_18, %scan3A_19 : i32
    %scan3A_21 = arith.constant 1 : i32
    scf.for %scan3A_50 = %scan3A_18 to %scan3A_20 step %scan3A_21  : i32 {
      %mul3A_51 = arith.constant 632 : i32
      %mul3A_52 = arith.muli %arg1, %mul3A_51 : i32
      %mul3A_53 = arith.constant 79 : i32
      %mul3A_54 = arith.muli %scan3A_50, %mul3A_53 : i32
      %add3A_55 = arith.addi %mul3A_52, %mul3A_54 : i32
      "tpu.region"() ({
        %run_scoped3A = tpu.sem_alloc : memref<!tpu.dma_semaphore, #tpu.memory_space<semaphore_mem>>
        %dma_start3A_56 = arith.constant 0 : i32
        %dma_start3A_57 = arith.constant 0 : i32
        %dma_start3A_58 = tpu.memref_slice %arg9[%dma_start3A_56, %dma_start3A_57] : memref<80x128xf32, #tpu.memory_space<vmem>> -> memref<79x128xf32, #tpu.memory_space<vmem>>
        %dma_start3A_59 = arith.constant 0 : i32
        %dma_start3A_60 = tpu.memref_slice %arg6[%add3A_55, %dma_start3A_59] : memref<10112x128xf32, #tpu.memory_space<vmem_shared>> -> memref<79x128xf32, #tpu.memory_space<vmem_shared>>
        %dma_start3A_61 = arith.constant 0 : i32
        %dma_start3A_62 = tpu.memref_slice %arg6[%add3A_55, %dma_start3A_61] : memref<10112x128xf32, #tpu.memory_space<vmem_shared>> -> memref<79x128xf32, #tpu.memory_space<vmem_shared>>
        %dma_start3A_63 = arith.constant 0 : i32
        %dma_start3A_64 = arith.constant 0 : i32
        %dma_start3A_65 = tpu.memref_slice %arg9[%dma_start3A_63, %dma_start3A_64] : memref<80x128xf32, #tpu.memory_space<vmem>> -> memref<79x128xf32, #tpu.memory_space<vmem>>
        tpu.enqueue_dma source(%dma_start3A_65 : memref<79x128xf32, #tpu.memory_space<vmem>>) target(%dma_start3A_62 : memref<79x128xf32, #tpu.memory_space<vmem_shared>>) target_semaphore(%run_scoped3A : memref<!tpu.dma_semaphore, #tpu.memory_space<semaphore_mem>>)
        %dma_wait3A_66 = arith.constant 0 : i32
        %dma_wait3A_67 = arith.constant 0 : i32
        %dma_wait3A_68 = tpu.memref_slice %arg9[%dma_wait3A_66, %dma_wait3A_67] : memref<80x128xf32, #tpu.memory_space<vmem>> -> memref<79x128xf32, #tpu.memory_space<vmem>>
        %dma_wait3A_69 = arith.constant 0 : i32
        %dma_wait3A_70 = tpu.memref_slice %arg6[%add3A_55, %dma_wait3A_69] : memref<10112x128xf32, #tpu.memory_space<vmem_shared>> -> memref<79x128xf32, #tpu.memory_space<vmem_shared>>
        %dma_wait3A_71 = arith.constant 0 : i32
        %dma_wait3A_72 = tpu.memref_slice %arg6[%add3A_55, %dma_wait3A_71] : memref<10112x128xf32, #tpu.memory_space<vmem_shared>> -> memref<79x128xf32, #tpu.memory_space<vmem_shared>>
        %dma_wait3A_73 = arith.constant 0 : i32
        %dma_wait3A_74 = arith.constant 0 : i32
        %dma_wait3A_75 = tpu.memref_slice %arg9[%dma_wait3A_73, %dma_wait3A_74] : memref<80x128xf32, #tpu.memory_space<vmem>> -> memref<79x128xf32, #tpu.memory_space<vmem>>
        tpu.wait_dma2 semaphore(%run_scoped3A : memref<!tpu.dma_semaphore, #tpu.memory_space<semaphore_mem>>) src(%dma_wait3A_75 : memref<79x128xf32, #tpu.memory_space<vmem>>) dst(%dma_wait3A_72 : memref<79x128xf32, #tpu.memory_space<vmem_shared>>)
        tpu.yield
      }) : () -> ()
    }
    %scan3A_22 = arith.constant 8 : i32
    %mul3A_23 = arith.constant 10000 : i32
    %mul3A_24 = arith.muli %add3A, %mul3A_23 : i32
    %dma_wait3A = tpu.memref_slice %arg3[%mul3A_24] : memref<320000xi32, #tpu.memory_space<hbm>> -> memref<10000xi32, #tpu.memory_space<hbm>>
    %dma_wait3A_25 = tpu.memref_slice %arg3[%mul3A_24] : memref<320000xi32, #tpu.memory_space<hbm>> -> memref<10000xi32, #tpu.memory_space<hbm>>
    tpu.wait_dma2 semaphore(%arg11 : memref<!tpu.dma_semaphore, #tpu.memory_space<semaphore_mem>>) src(%dma_wait3A_25 : memref<10000xi32, #tpu.memory_space<hbm>>) dst(%arg7 : memref<10000xi32, #tpu.memory_space<vmem>>)
    %dma_wait3A_26 = arith.constant 0 : i32
    %dma_wait3A_27 = arith.constant 0 : i32
    %dma_wait3A_28 = tpu.memref_slice %arg4[%arg0, %arg1, %dma_wait3A_26, %dma_wait3A_27] : memref<2x16x125x80xi32, #tpu.memory_space<hbm>> -> memref<1x1x125x80xi32, #tpu.memory_space<hbm>>
    %dma_wait3A_29 = tpu.memref_squeeze %dma_wait3A_28 : memref<1x1x125x80xi32, #tpu.memory_space<hbm>> -> memref<125x80xi32, #tpu.memory_space<hbm>>
    %dma_wait3A_30 = arith.constant 0 : i32
    %dma_wait3A_31 = arith.constant 0 : i32
    %dma_wait3A_32 = tpu.memref_slice %arg4[%arg0, %arg1, %dma_wait3A_30, %dma_wait3A_31] : memref<2x16x125x80xi32, #tpu.memory_space<hbm>> -> memref<1x1x125x80xi32, #tpu.memory_space<hbm>>
    %dma_wait3A_33 = tpu.memref_squeeze %dma_wait3A_32 : memref<1x1x125x80xi32, #tpu.memory_space<hbm>> -> memref<125x80xi32, #tpu.memory_space<hbm>>
    tpu.wait_dma2 semaphore(%arg12 : memref<!tpu.dma_semaphore, #tpu.memory_space<semaphore_mem>>) src(%dma_wait3A_33 : memref<125x80xi32, #tpu.memory_space<hbm>>) dst(%arg8 : memref<125x80xi32, #tpu.memory_space<vmem>>)
    %barrier3A = arith.constant 0 : index
    tpu.barrier barrier_id(%barrier3A)
    %dma_start3A_34 = arith.constant 0 : i32
    %dma_start3A_35 = tpu.memref_slice %arg7[%dma_start3A_34] : memref<10000xi32, #tpu.memory_space<vmem>> -> memref<80xi32, #tpu.memory_space<vmem>>
    %dma_start3A_36 = arith.constant 0 : i32
    %dma_start3A_37 = arith.constant 0 : i32
    %dma_start3A_38 = tpu.memref_slice %arg2[%dma_start3A_36, %dma_start3A_37] : memref<10000x128xf32, #tpu.memory_space<hbm>> -> memref<10000x128xf32, #tpu.memory_space<hbm>>
    tpu.enqueue_indirect_dma source(%dma_start3A_38 : memref<10000x128xf32, #tpu.memory_space<hbm>>) target(%arg9 : memref<80x128xf32, #tpu.memory_space<vmem>>) offsets(%dma_start3A_35 : memref<80xi32, #tpu.memory_space<vmem>>) semaphore(%arg11 : memref<!tpu.dma_semaphore, #tpu.memory_space<semaphore_mem>>)
    %scan3A_39 = arith.constant 0 : i32
    %scan3A_40 = arith.constant 0 : i32
    %scan3A_41 = arith.constant 63 : i32
    %scan3A_42 = arith.addi %scan3A_40, %scan3A_41 : i32
    %scan3A_43 = arith.constant 1 : i32
    scf.for %scan3A_50 = %scan3A_40 to %scan3A_42 step %scan3A_43  : i32 {
      %mul3A_51 = arith.constant 2 : i32
      %mul3A_52 = arith.muli %mul3A_51, %scan3A_50 : i32
      %add3A_53 = arith.constant 1 : i32
      %add3A_54 = arith.addi %mul3A_52, %add3A_53 : i32
      %lt3A = arith.constant 125 : i32
      %lt3A_55 = arith.cmpi slt, %add3A_54, %lt3A : i32
      %convert_element_type3A = arith.extui %lt3A_55 : i1 to i32
      %cond3A = arith.constant 0 : i32
      %cond3A_56 = arith.cmpi ne, %convert_element_type3A, %cond3A : i32
      scf.if %cond3A_56 {
        %add3A_77 = arith.constant 1 : i32
        %add3A_78 = arith.addi %mul3A_52, %add3A_77 : i32
        %mul3A_79 = arith.constant 80 : i32
        %mul3A_80 = arith.muli %add3A_78, %mul3A_79 : i32
        %dma_start3A_81 = tpu.memref_slice %arg7[%mul3A_80] : memref<10000xi32, #tpu.memory_space<vmem>> -> memref<80xi32, #tpu.memory_space<vmem>>
        %dma_start3A_82 = arith.constant 0 : i32
        %dma_start3A_83 = arith.constant 0 : i32
        %dma_start3A_84 = tpu.memref_slice %arg2[%dma_start3A_82, %dma_start3A_83] : memref<10000x128xf32, #tpu.memory_space<hbm>> -> memref<10000x128xf32, #tpu.memory_space<hbm>>
        tpu.enqueue_indirect_dma source(%dma_start3A_84 : memref<10000x128xf32, #tpu.memory_space<hbm>>) target(%arg10 : memref<80x128xf32, #tpu.memory_space<vmem>>) offsets(%dma_start3A_81 : memref<80xi32, #tpu.memory_space<vmem>>) semaphore(%arg12 : memref<!tpu.dma_semaphore, #tpu.memory_space<semaphore_mem>>)
      } else {
      }
      %mul3A_57 = arith.constant 80 : i32
      %mul3A_58 = arith.muli %mul3A_52, %mul3A_57 : i32
      %dma_wait3A_59 = tpu.memref_slice %arg7[%mul3A_58] : memref<10000xi32, #tpu.memory_space<vmem>> -> memref<80xi32, #tpu.memory_space<vmem>>
      %dma_wait3A_60 = arith.constant 0 : i32
      %dma_wait3A_61 = arith.constant 0 : i32
      %dma_wait3A_62 = tpu.memref_slice %arg2[%dma_wait3A_60, %dma_wait3A_61] : memref<10000x128xf32, #tpu.memory_space<hbm>> -> memref<10000x128xf32, #tpu.memory_space<hbm>>
      tpu.wait_indirect_dma semaphore(%arg11 : memref<!tpu.dma_semaphore, #tpu.memory_space<semaphore_mem>>) src(%dma_wait3A_62 : memref<10000x128xf32, #tpu.memory_space<hbm>>) dst(%arg9 : memref<80x128xf32, #tpu.memory_space<vmem>>)
      "tpu.region"() ({
        %run_scoped3A = tpu.sem_alloc : memref<!tpu.dma_semaphore, #tpu.memory_space<semaphore_mem>>
        %dma_start3A_77 = arith.constant 0 : i32
        %dma_start3A_78 = tpu.memref_slice %arg8[%mul3A_52, %dma_start3A_77] : memref<125x80xi32, #tpu.memory_space<vmem>> -> memref<1x80xi32, #tpu.memory_space<vmem>>
        %dma_start3A_79 = tpu.memref_squeeze %dma_start3A_78 : memref<1x80xi32, #tpu.memory_space<vmem>> -> memref<80xi32, #tpu.memory_space<vmem>>
        %dma_start3A_80 = arith.constant 0 : i32
        %dma_start3A_81 = arith.constant 0 : i32
        %dma_start3A_82 = tpu.memref_slice %arg6[%dma_start3A_80, %dma_start3A_81] : memref<10112x128xf32, #tpu.memory_space<vmem_shared>> -> memref<10112x128xf32, #tpu.memory_space<vmem_shared>>
        tpu.enqueue_indirect_dma source(%arg9 : memref<80x128xf32, #tpu.memory_space<vmem>>) target(%dma_start3A_82 : memref<10112x128xf32, #tpu.memory_space<vmem_shared>>) offsets(%dma_start3A_79 : memref<80xi32, #tpu.memory_space<vmem>>) semaphore(%run_scoped3A : memref<!tpu.dma_semaphore, #tpu.memory_space<semaphore_mem>>) {add = true}
        %dma_wait3A_83 = arith.constant 0 : i32
        %dma_wait3A_84 = tpu.memref_slice %arg8[%mul3A_52, %dma_wait3A_83] : memref<125x80xi32, #tpu.memory_space<vmem>> -> memref<1x80xi32, #tpu.memory_space<vmem>>
        %dma_wait3A_85 = tpu.memref_squeeze %dma_wait3A_84 : memref<1x80xi32, #tpu.memory_space<vmem>> -> memref<80xi32, #tpu.memory_space<vmem>>
        %dma_wait3A_86 = arith.constant 0 : i32
        %dma_wait3A_87 = arith.constant 0 : i32
        %dma_wait3A_88 = tpu.memref_slice %arg6[%dma_wait3A_86, %dma_wait3A_87] : memref<10112x128xf32, #tpu.memory_space<vmem_shared>> -> memref<10112x128xf32, #tpu.memory_space<vmem_shared>>
        tpu.wait_indirect_dma semaphore(%run_scoped3A : memref<!tpu.dma_semaphore, #tpu.memory_space<semaphore_mem>>) src(%arg9 : memref<80x128xf32, #tpu.memory_space<vmem>>) dst(%dma_wait3A_88 : memref<10112x128xf32, #tpu.memory_space<vmem_shared>>)
        tpu.yield
      }) : () -> ()
      %add3A_63 = arith.constant 2 : i32
      %add3A_64 = arith.addi %mul3A_52, %add3A_63 : i32
      %lt3A_65 = arith.constant 125 : i32
      %lt3A_66 = arith.cmpi slt, %add3A_64, %lt3A_65 : i32
      %convert_element_type3A_67 = arith.extui %lt3A_66 : i1 to i32
      %cond3A_68 = arith.constant 0 : i32
      %cond3A_69 = arith.cmpi ne, %convert_element_type3A_67, %cond3A_68 : i32
      scf.if %cond3A_69 {
        %add3A_77 = arith.constant 2 : i32
        %add3A_78 = arith.addi %mul3A_52, %add3A_77 : i32
        %mul3A_79 = arith.constant 80 : i32
        %mul3A_80 = arith.muli %add3A_78, %mul3A_79 : i32
        %dma_start3A_81 = tpu.memref_slice %arg7[%mul3A_80] : memref<10000xi32, #tpu.memory_space<vmem>> -> memref<80xi32, #tpu.memory_space<vmem>>
        %dma_start3A_82 = arith.constant 0 : i32
        %dma_start3A_83 = arith.constant 0 : i32
        %dma_start3A_84 = tpu.memref_slice %arg2[%dma_start3A_82, %dma_start3A_83] : memref<10000x128xf32, #tpu.memory_space<hbm>> -> memref<10000x128xf32, #tpu.memory_space<hbm>>
        tpu.enqueue_indirect_dma source(%dma_start3A_84 : memref<10000x128xf32, #tpu.memory_space<hbm>>) target(%arg9 : memref<80x128xf32, #tpu.memory_space<vmem>>) offsets(%dma_start3A_81 : memref<80xi32, #tpu.memory_space<vmem>>) semaphore(%arg11 : memref<!tpu.dma_semaphore, #tpu.memory_space<semaphore_mem>>)
      } else {
      }
      %add3A_70 = arith.constant 1 : i32
      %add3A_71 = arith.addi %mul3A_52, %add3A_70 : i32
      %lt3A_72 = arith.constant 125 : i32
      %lt3A_73 = arith.cmpi slt, %add3A_71, %lt3A_72 : i32
      %convert_element_type3A_74 = arith.extui %lt3A_73 : i1 to i32
      %cond3A_75 = arith.constant 0 : i32
      %cond3A_76 = arith.cmpi ne, %convert_element_type3A_74, %cond3A_75 : i32
      scf.if %cond3A_76 {
        %add3A_77 = arith.constant 1 : i32
        %add3A_78 = arith.addi %mul3A_52, %add3A_77 : i32
        %mul3A_79 = arith.constant 80 : i32
        %mul3A_80 = arith.muli %add3A_78, %mul3A_79 : i32
        %dma_wait3A_81 = tpu.memref_slice %arg7[%mul3A_80] : memref<10000xi32, #tpu.memory_space<vmem>> -> memref<80xi32, #tpu.memory_space<vmem>>
        %dma_wait3A_82 = arith.constant 0 : i32
        %dma_wait3A_83 = arith.constant 0 : i32
        %dma_wait3A_84 = tpu.memref_slice %arg2[%dma_wait3A_82, %dma_wait3A_83] : memref<10000x128xf32, #tpu.memory_space<hbm>> -> memref<10000x128xf32, #tpu.memory_space<hbm>>
        tpu.wait_indirect_dma semaphore(%arg12 : memref<!tpu.dma_semaphore, #tpu.memory_space<semaphore_mem>>) src(%dma_wait3A_84 : memref<10000x128xf32, #tpu.memory_space<hbm>>) dst(%arg10 : memref<80x128xf32, #tpu.memory_space<vmem>>)
        "tpu.region"() ({
          %run_scoped3A = tpu.sem_alloc : memref<!tpu.dma_semaphore, #tpu.memory_space<semaphore_mem>>
          %dma_start3A_85 = arith.constant 0 : i32
          %dma_start3A_86 = tpu.memref_slice %arg8[%add3A_78, %dma_start3A_85] : memref<125x80xi32, #tpu.memory_space<vmem>> -> memref<1x80xi32, #tpu.memory_space<vmem>>
          %dma_start3A_87 = tpu.memref_squeeze %dma_start3A_86 : memref<1x80xi32, #tpu.memory_space<vmem>> -> memref<80xi32, #tpu.memory_space<vmem>>
          %dma_start3A_88 = arith.constant 0 : i32
          %dma_start3A_89 = arith.constant 0 : i32
          %dma_start3A_90 = tpu.memref_slice %arg6[%dma_start3A_88, %dma_start3A_89] : memref<10112x128xf32, #tpu.memory_space<vmem_shared>> -> memref<10112x128xf32, #tpu.memory_space<vmem_shared>>
          tpu.enqueue_indirect_dma source(%arg10 : memref<80x128xf32, #tpu.memory_space<vmem>>) target(%dma_start3A_90 : memref<10112x128xf32, #tpu.memory_space<vmem_shared>>) offsets(%dma_start3A_87 : memref<80xi32, #tpu.memory_space<vmem>>) semaphore(%run_scoped3A : memref<!tpu.dma_semaphore, #tpu.memory_space<semaphore_mem>>) {add = true}
          %dma_wait3A_91 = arith.constant 0 : i32
          %dma_wait3A_92 = tpu.memref_slice %arg8[%add3A_78, %dma_wait3A_91] : memref<125x80xi32, #tpu.memory_space<vmem>> -> memref<1x80xi32, #tpu.memory_space<vmem>>
          %dma_wait3A_93 = tpu.memref_squeeze %dma_wait3A_92 : memref<1x80xi32, #tpu.memory_space<vmem>> -> memref<80xi32, #tpu.memory_space<vmem>>
          %dma_wait3A_94 = arith.constant 0 : i32
          %dma_wait3A_95 = arith.constant 0 : i32
          %dma_wait3A_96 = tpu.memref_slice %arg6[%dma_wait3A_94, %dma_wait3A_95] : memref<10112x128xf32, #tpu.memory_space<vmem_shared>> -> memref<10112x128xf32, #tpu.memory_space<vmem_shared>>
          tpu.wait_indirect_dma semaphore(%run_scoped3A : memref<!tpu.dma_semaphore, #tpu.memory_space<semaphore_mem>>) src(%arg10 : memref<80x128xf32, #tpu.memory_space<vmem>>) dst(%dma_wait3A_96 : memref<10112x128xf32, #tpu.memory_space<vmem_shared>>)
          tpu.yield
        }) : () -> ()
      } else {
      }
    }
    %scan3A_44 = arith.constant 63 : i32
    %barrier3A_45 = arith.constant 0 : index
    tpu.barrier barrier_id(%barrier3A_45)
    %mul3A_46 = arith.constant 632 : i32
    %mul3A_47 = arith.muli %arg1, %mul3A_46 : i32
    %mul3A_48 = arith.constant 632 : i32
    %mul3A_49 = arith.muli %arg1, %mul3A_48 : i32
    "tpu.region"() ({
      %run_scoped3A = tpu.sem_alloc : memref<!tpu.dma_semaphore, #tpu.memory_space<semaphore_mem>>
      %dma_start3A_50 = arith.constant 0 : i32
      %dma_start3A_51 = tpu.memref_slice %arg5[%arg0, %mul3A_49, %dma_start3A_50] : memref<2x10112x128xf32, #tpu.memory_space<hbm>> -> memref<1x632x128xf32, #tpu.memory_space<hbm>>
      %dma_start3A_52 = tpu.memref_squeeze %dma_start3A_51 : memref<1x632x128xf32, #tpu.memory_space<hbm>> -> memref<632x128xf32, #tpu.memory_space<hbm>>
      %dma_start3A_53 = arith.constant 0 : i32
      %dma_start3A_54 = tpu.memref_slice %arg6[%mul3A_47, %dma_start3A_53] : memref<10112x128xf32, #tpu.memory_space<vmem_shared>> -> memref<632x128xf32, #tpu.memory_space<vmem_shared>>
      tpu.enqueue_dma source(%dma_start3A_54 : memref<632x128xf32, #tpu.memory_space<vmem_shared>>) target(%dma_start3A_52 : memref<632x128xf32, #tpu.memory_space<hbm>>) target_semaphore(%run_scoped3A : memref<!tpu.dma_semaphore, #tpu.memory_space<semaphore_mem>>)
      %dma_wait3A_55 = arith.constant 0 : i32
      %dma_wait3A_56 = tpu.memref_slice %arg5[%arg0, %mul3A_49, %dma_wait3A_55] : memref<2x10112x128xf32, #tpu.memory_space<hbm>> -> memref<1x632x128xf32, #tpu.memory_space<hbm>>
      %dma_wait3A_57 = tpu.memref_squeeze %dma_wait3A_56 : memref<1x632x128xf32, #tpu.memory_space<hbm>> -> memref<632x128xf32, #tpu.memory_space<hbm>>
      %dma_wait3A_58 = arith.constant 0 : i32
      %dma_wait3A_59 = tpu.memref_slice %arg6[%mul3A_47, %dma_wait3A_58] : memref<10112x128xf32, #tpu.memory_space<vmem_shared>> -> memref<632x128xf32, #tpu.memory_space<vmem_shared>>
      tpu.wait_dma2 semaphore(%run_scoped3A : memref<!tpu.dma_semaphore, #tpu.memory_space<semaphore_mem>>) src(%dma_wait3A_59 : memref<632x128xf32, #tpu.memory_space<vmem_shared>>) dst(%dma_wait3A_57 : memref<632x128xf32, #tpu.memory_space<hbm>>)
      tpu.yield
    }) : () -> ()
    return
  }
}

#map = affine_map<(d0, d1) -> (0, 0, 0, 0)>
#map1 = affine_map<(d0, d1) -> (0, 0, 0)>
module attributes {stable_mosaic.version = 14 : i64} {
  func.func @_deg_sc(%arg0: i32, %arg1: i32, %arg2: memref<2x16x125x80xi32, #tpu.memory_space<hbm>>, %arg3: memref<2x10112x16xf32, #tpu.memory_space<hbm>>, %arg4: memref<10112x16xf32, #tpu.memory_space<vmem_shared>>, %arg5: memref<125x80xi32, #tpu.memory_space<vmem>>, %arg6: memref<632x16xf32, #tpu.memory_space<vmem>>, %arg7: memref<!tpu.dma_semaphore, #tpu.memory_space<semaphore_mem>>) attributes {dimension_semantics = [#tpu.dimension_semantics<core_parallel>, #tpu.dimension_semantics<subcore_parallel>], iteration_bounds = array<i64: 2, 16>, scalar_prefetch = 0 : i64, scratch_operands = 4 : i64, tpu.core_type = #tpu.core_type<sc_vector_subcore>, window_params = [{transform_indices = #map}, {transform_indices = #map1}]} {
    %scan3A = arith.constant 0 : i32
    %scan3A_0 = arith.constant 0 : i32
    %scan3A_1 = arith.constant 632 : i32
    %scan3A_2 = arith.addi %scan3A_0, %scan3A_1 : i32
    %scan3A_3 = arith.constant 1 : i32
    scf.for %scan3A_23 = %scan3A_0 to %scan3A_2 step %scan3A_3  : i32 {
      %broadcast_in_dim3A = arith.constant 0.000000e+00 : f32
      %broadcast_in_dim3A_24 = vector.broadcast %broadcast_in_dim3A : f32 to vector<16xf32>
      %swap3A = arith.index_cast %scan3A_23 : i32 to index
      %swap3A_25 = arith.constant 0 : index
      %swap3A_26 = tpu.vector_load %arg6[%swap3A, %swap3A_25] {strides = array<i32>} : memref<632x16xf32, #tpu.memory_space<vmem>>, vector<1x16xf32>,
      %swap3A_27 = vector.shape_cast %swap3A_26 : vector<1x16xf32> to vector<16xf32>
      %swap3A_28 = vector.shape_cast %broadcast_in_dim3A_24 : vector<16xf32> to vector<1x16xf32>
      tpu.vector_store %arg6[%swap3A, %swap3A_25], %swap3A_28 {strides = array<i32>} : memref<632x16xf32, #tpu.memory_space<vmem>>, vector<1x16xf32>,
    }
    %scan3A_4 = arith.constant 632 : i32
    %mul3A = arith.constant 632 : i32
    %mul3A_5 = arith.muli %arg1, %mul3A : i32
    "tpu.region"() ({
      %run_scoped3A = tpu.sem_alloc : memref<!tpu.dma_semaphore, #tpu.memory_space<semaphore_mem>>
      %dma_start3A = arith.constant 0 : i32
      %dma_start3A_23 = tpu.memref_slice %arg4[%mul3A_5, %dma_start3A] : memref<10112x16xf32, #tpu.memory_space<vmem_shared>> -> memref<632x16xf32, #tpu.memory_space<vmem_shared>>
      %dma_start3A_24 = arith.constant 0 : i32
      %dma_start3A_25 = tpu.memref_slice %arg4[%mul3A_5, %dma_start3A_24] : memref<10112x16xf32, #tpu.memory_space<vmem_shared>> -> memref<632x16xf32, #tpu.memory_space<vmem_shared>>
      tpu.enqueue_dma source(%arg6 : memref<632x16xf32, #tpu.memory_space<vmem>>) target(%dma_start3A_25 : memref<632x16xf32, #tpu.memory_space<vmem_shared>>) target_semaphore(%run_scoped3A : memref<!tpu.dma_semaphore, #tpu.memory_space<semaphore_mem>>)
      %dma_wait3A = arith.constant 0 : i32
      %dma_wait3A_26 = tpu.memref_slice %arg4[%mul3A_5, %dma_wait3A] : memref<10112x16xf32, #tpu.memory_space<vmem_shared>> -> memref<632x16xf32, #tpu.memory_space<vmem_shared>>
      %dma_wait3A_27 = arith.constant 0 : i32
      %dma_wait3A_28 = tpu.memref_slice %arg4[%mul3A_5, %dma_wait3A_27] : memref<10112x16xf32, #tpu.memory_space<vmem_shared>> -> memref<632x16xf32, #tpu.memory_space<vmem_shared>>
      tpu.wait_dma2 semaphore(%run_scoped3A : memref<!tpu.dma_semaphore, #tpu.memory_space<semaphore_mem>>) src(%arg6 : memref<632x16xf32, #tpu.memory_space<vmem>>) dst(%dma_wait3A_28 : memref<632x16xf32, #tpu.memory_space<vmem_shared>>)
      tpu.yield
    }) : () -> ()
    "tpu.region"() ({
      %run_scoped3A = tpu.sem_alloc : memref<!tpu.dma_semaphore, #tpu.memory_space<semaphore_mem>>
      %dma_start3A = arith.constant 0 : i32
      %dma_start3A_23 = arith.constant 0 : i32
      %dma_start3A_24 = tpu.memref_slice %arg2[%arg0, %arg1, %dma_start3A, %dma_start3A_23] : memref<2x16x125x80xi32, #tpu.memory_space<hbm>> -> memref<1x1x125x80xi32, #tpu.memory_space<hbm>>
      %dma_start3A_25 = tpu.memref_squeeze %dma_start3A_24 : memref<1x1x125x80xi32, #tpu.memory_space<hbm>> -> memref<125x80xi32, #tpu.memory_space<hbm>>
      %dma_start3A_26 = arith.constant 0 : i32
      %dma_start3A_27 = arith.constant 0 : i32
      %dma_start3A_28 = tpu.memref_slice %arg2[%arg0, %arg1, %dma_start3A_26, %dma_start3A_27] : memref<2x16x125x80xi32, #tpu.memory_space<hbm>> -> memref<1x1x125x80xi32, #tpu.memory_space<hbm>>
      %dma_start3A_29 = tpu.memref_squeeze %dma_start3A_28 : memref<1x1x125x80xi32, #tpu.memory_space<hbm>> -> memref<125x80xi32, #tpu.memory_space<hbm>>
      tpu.enqueue_dma source(%dma_start3A_29 : memref<125x80xi32, #tpu.memory_space<hbm>>) target(%arg5 : memref<125x80xi32, #tpu.memory_space<vmem>>) target_semaphore(%run_scoped3A : memref<!tpu.dma_semaphore, #tpu.memory_space<semaphore_mem>>)
      %dma_wait3A = arith.constant 0 : i32
      %dma_wait3A_30 = arith.constant 0 : i32
      %dma_wait3A_31 = tpu.memref_slice %arg2[%arg0, %arg1, %dma_wait3A, %dma_wait3A_30] : memref<2x16x125x80xi32, #tpu.memory_space<hbm>> -> memref<1x1x125x80xi32, #tpu.memory_space<hbm>>
      %dma_wait3A_32 = tpu.memref_squeeze %dma_wait3A_31 : memref<1x1x125x80xi32, #tpu.memory_space<hbm>> -> memref<125x80xi32, #tpu.memory_space<hbm>>
      %dma_wait3A_33 = arith.constant 0 : i32
      %dma_wait3A_34 = arith.constant 0 : i32
      %dma_wait3A_35 = tpu.memref_slice %arg2[%arg0, %arg1, %dma_wait3A_33, %dma_wait3A_34] : memref<2x16x125x80xi32, #tpu.memory_space<hbm>> -> memref<1x1x125x80xi32, #tpu.memory_space<hbm>>
      %dma_wait3A_36 = tpu.memref_squeeze %dma_wait3A_35 : memref<1x1x125x80xi32, #tpu.memory_space<hbm>> -> memref<125x80xi32, #tpu.memory_space<hbm>>
      tpu.wait_dma2 semaphore(%run_scoped3A : memref<!tpu.dma_semaphore, #tpu.memory_space<semaphore_mem>>) src(%dma_wait3A_36 : memref<125x80xi32, #tpu.memory_space<hbm>>) dst(%arg5 : memref<125x80xi32, #tpu.memory_space<vmem>>)
      tpu.yield
    }) : () -> ()
    %scan3A_6 = arith.constant 0 : i32
    %scan3A_7 = arith.constant 0 : i32
    %scan3A_8 = arith.constant 80 : i32
    %scan3A_9 = arith.addi %scan3A_7, %scan3A_8 : i32
    %scan3A_10 = arith.constant 1 : i32
    scf.for %scan3A_23 = %scan3A_7 to %scan3A_9 step %scan3A_10  : i32 {
      %broadcast_in_dim3A = arith.constant 1.000000e+00 : f32
      %broadcast_in_dim3A_24 = vector.broadcast %broadcast_in_dim3A : f32 to vector<16xf32>
      %swap3A = arith.index_cast %scan3A_23 : i32 to index
      %swap3A_25 = arith.constant 0 : index
      %swap3A_26 = tpu.vector_load %arg6[%swap3A, %swap3A_25] {strides = array<i32>} : memref<632x16xf32, #tpu.memory_space<vmem>>, vector<1x16xf32>,
      %swap3A_27 = vector.shape_cast %swap3A_26 : vector<1x16xf32> to vector<16xf32>
      %swap3A_28 = vector.shape_cast %broadcast_in_dim3A_24 : vector<16xf32> to vector<1x16xf32>
      tpu.vector_store %arg6[%swap3A, %swap3A_25], %swap3A_28 {strides = array<i32>} : memref<632x16xf32, #tpu.memory_space<vmem>>, vector<1x16xf32>,
    }
    %scan3A_11 = arith.constant 80 : i32
    %barrier3A = arith.constant 0 : index
    tpu.barrier barrier_id(%barrier3A)
    %scan3A_12 = arith.constant 0 : i32
    %scan3A_13 = arith.constant 0 : i32
    %scan3A_14 = arith.constant 125 : i32
    %scan3A_15 = arith.addi %scan3A_13, %scan3A_14 : i32
    %scan3A_16 = arith.constant 1 : i32
    scf.for %scan3A_23 = %scan3A_13 to %scan3A_15 step %scan3A_16  : i32 {
      "tpu.region"() ({
        %run_scoped3A = tpu.sem_alloc : memref<!tpu.dma_semaphore, #tpu.memory_space<semaphore_mem>>
        %dma_start3A = arith.constant 0 : i32
        %dma_start3A_24 = arith.constant 0 : i32
        %dma_start3A_25 = tpu.memref_slice %arg6[%dma_start3A, %dma_start3A_24] : memref<632x16xf32, #tpu.memory_space<vmem>> -> memref<80x16xf32, #tpu.memory_space<vmem>>
        %dma_start3A_26 = arith.constant 0 : i32
        %dma_start3A_27 = tpu.memref_slice %arg5[%scan3A_23, %dma_start3A_26] : memref<125x80xi32, #tpu.memory_space<vmem>> -> memref<1x80xi32, #tpu.memory_space<vmem>>
        %dma_start3A_28 = tpu.memref_squeeze %dma_start3A_27 : memref<1x80xi32, #tpu.memory_space<vmem>> -> memref<80xi32, #tpu.memory_space<vmem>>
        %dma_start3A_29 = arith.constant 0 : i32
        %dma_start3A_30 = arith.constant 0 : i32
        %dma_start3A_31 = tpu.memref_slice %arg4[%dma_start3A_29, %dma_start3A_30] : memref<10112x16xf32, #tpu.memory_space<vmem_shared>> -> memref<10112x16xf32, #tpu.memory_space<vmem_shared>>
        tpu.enqueue_indirect_dma source(%dma_start3A_25 : memref<80x16xf32, #tpu.memory_space<vmem>>) target(%dma_start3A_31 : memref<10112x16xf32, #tpu.memory_space<vmem_shared>>) offsets(%dma_start3A_28 : memref<80xi32, #tpu.memory_space<vmem>>) semaphore(%run_scoped3A : memref<!tpu.dma_semaphore, #tpu.memory_space<semaphore_mem>>) {add = true}
        %dma_wait3A = arith.constant 0 : i32
        %dma_wait3A_32 = arith.constant 0 : i32
        %dma_wait3A_33 = tpu.memref_slice %arg6[%dma_wait3A, %dma_wait3A_32] : memref<632x16xf32, #tpu.memory_space<vmem>> -> memref<80x16xf32, #tpu.memory_space<vmem>>
        %dma_wait3A_34 = arith.constant 0 : i32
        %dma_wait3A_35 = tpu.memref_slice %arg5[%scan3A_23, %dma_wait3A_34] : memref<125x80xi32, #tpu.memory_space<vmem>> -> memref<1x80xi32, #tpu.memory_space<vmem>>
        %dma_wait3A_36 = tpu.memref_squeeze %dma_wait3A_35 : memref<1x80xi32, #tpu.memory_space<vmem>> -> memref<80xi32, #tpu.memory_space<vmem>>
        %dma_wait3A_37 = arith.constant 0 : i32
        %dma_wait3A_38 = arith.constant 0 : i32
        %dma_wait3A_39 = tpu.memref_slice %arg4[%dma_wait3A_37, %dma_wait3A_38] : memref<10112x16xf32, #tpu.memory_space<vmem_shared>> -> memref<10112x16xf32, #tpu.memory_space<vmem_shared>>
        tpu.wait_indirect_dma semaphore(%run_scoped3A : memref<!tpu.dma_semaphore, #tpu.memory_space<semaphore_mem>>) src(%dma_wait3A_33 : memref<80x16xf32, #tpu.memory_space<vmem>>) dst(%dma_wait3A_39 : memref<10112x16xf32, #tpu.memory_space<vmem_shared>>)
        tpu.yield
      }) : () -> ()
    }
    %scan3A_17 = arith.constant 125 : i32
    %barrier3A_18 = arith.constant 0 : index
    tpu.barrier barrier_id(%barrier3A_18)
    %mul3A_19 = arith.constant 632 : i32
    %mul3A_20 = arith.muli %arg1, %mul3A_19 : i32
    %mul3A_21 = arith.constant 632 : i32
    %mul3A_22 = arith.muli %arg1, %mul3A_21 : i32
    "tpu.region"() ({
      %run_scoped3A = tpu.sem_alloc : memref<!tpu.dma_semaphore, #tpu.memory_space<semaphore_mem>>
      %dma_start3A = arith.constant 0 : i32
      %dma_start3A_23 = tpu.memref_slice %arg3[%arg0, %mul3A_22, %dma_start3A] : memref<2x10112x16xf32, #tpu.memory_space<hbm>> -> memref<1x632x16xf32, #tpu.memory_space<hbm>>
      %dma_start3A_24 = tpu.memref_squeeze %dma_start3A_23 : memref<1x632x16xf32, #tpu.memory_space<hbm>> -> memref<632x16xf32, #tpu.memory_space<hbm>>
      %dma_start3A_25 = arith.constant 0 : i32
      %dma_start3A_26 = tpu.memref_slice %arg4[%mul3A_20, %dma_start3A_25] : memref<10112x16xf32, #tpu.memory_space<vmem_shared>> -> memref<632x16xf32, #tpu.memory_space<vmem_shared>>
      tpu.enqueue_dma source(%dma_start3A_26 : memref<632x16xf32, #tpu.memory_space<vmem_shared>>) target(%dma_start3A_24 : memref<632x16xf32, #tpu.memory_space<hbm>>) target_semaphore(%run_scoped3A : memref<!tpu.dma_semaphore, #tpu.memory_space<semaphore_mem>>)
      %dma_wait3A = arith.constant 0 : i32
      %dma_wait3A_27 = tpu.memref_slice %arg3[%arg0, %mul3A_22, %dma_wait3A] : memref<2x10112x16xf32, #tpu.memory_space<hbm>> -> memref<1x632x16xf32, #tpu.memory_space<hbm>>
      %dma_wait3A_28 = tpu.memref_squeeze %dma_wait3A_27 : memref<1x632x16xf32, #tpu.memory_space<hbm>> -> memref<632x16xf32, #tpu.memory_space<hbm>>
      %dma_wait3A_29 = arith.constant 0 : i32
      %dma_wait3A_30 = tpu.memref_slice %arg4[%mul3A_20, %dma_wait3A_29] : memref<10112x16xf32, #tpu.memory_space<vmem_shared>> -> memref<632x16xf32, #tpu.memory_space<vmem_shared>>
      tpu.wait_dma2 semaphore(%run_scoped3A : memref<!tpu.dma_semaphore, #tpu.memory_space<semaphore_mem>>) src(%dma_wait3A_30 : memref<632x16xf32, #tpu.memory_space<vmem_shared>>) dst(%dma_wait3A_28 : memref<632x16xf32, #tpu.memory_space<hbm>>)
      tpu.yield
    }) : () -> ()
    return
  }
}

#map = affine_map<(d0, d1) -> (0, 0)>
#map1 = affine_map<(d0, d1) -> (0)>
#map2 = affine_map<(d0, d1) -> (0, 0, 0, 0)>
#map3 = affine_map<(d0, d1) -> (0, 0, 0)>
module attributes {stable_mosaic.version = 14 : i64} {
  func.func @_edge_sc(%arg0: i32, %arg1: i32, %arg2: memref<10000x128xf32, #tpu.memory_space<hbm>>, %arg3: memref<320000xi32, #tpu.memory_space<hbm>>, %arg4: memref<2x16x125x80xi32, #tpu.memory_space<hbm>>, %arg5: memref<2x10112x128xf32, #tpu.memory_space<hbm>>, %arg6: memref<10112x128xf32, #tpu.memory_space<vmem_shared>>, %arg7: memref<10000xi32, #tpu.memory_space<vmem>>, %arg8: memref<125x80xi32, #tpu.memory_space<vmem>>, %arg9: memref<80x128xf32, #tpu.memory_space<vmem>>, %arg10: memref<80x128xf32, #tpu.memory_space<vmem>>, %arg11: memref<!tpu.dma_semaphore, #tpu.memory_space<semaphore_mem>>, %arg12: memref<!tpu.dma_semaphore, #tpu.memory_space<semaphore_mem>>) attributes {dimension_semantics = [#tpu.dimension_semantics<core_parallel>, #tpu.dimension_semantics<subcore_parallel>], iteration_bounds = array<i64: 2, 16>, scalar_prefetch = 0 : i64, scratch_operands = 7 : i64, tpu.core_type = #tpu.core_type<sc_vector_subcore>, window_params = [{transform_indices = #map}, {transform_indices = #map1}, {transform_indices = #map2}, {transform_indices = #map3}]} {
    %mul3A = arith.constant 16 : i32
    %mul3A_0 = arith.muli %arg0, %mul3A : i32
    %add3A = arith.addi %mul3A_0, %arg1 : i32
    %mul3A_1 = arith.constant 10000 : i32
    %mul3A_2 = arith.muli %add3A, %mul3A_1 : i32
    %dma_start3A = tpu.memref_slice %arg3[%mul3A_2] : memref<320000xi32, #tpu.memory_space<hbm>> -> memref<10000xi32, #tpu.memory_space<hbm>>
    %dma_start3A_3 = tpu.memref_slice %arg3[%mul3A_2] : memref<320000xi32, #tpu.memory_space<hbm>> -> memref<10000xi32, #tpu.memory_space<hbm>>
    tpu.enqueue_dma source(%dma_start3A_3 : memref<10000xi32, #tpu.memory_space<hbm>>) target(%arg7 : memref<10000xi32, #tpu.memory_space<vmem>>) target_semaphore(%arg11 : memref<!tpu.dma_semaphore, #tpu.memory_space<semaphore_mem>>)
    %dma_start3A_4 = arith.constant 0 : i32
    %dma_start3A_5 = arith.constant 0 : i32
    %dma_start3A_6 = tpu.memref_slice %arg4[%arg0, %arg1, %dma_start3A_4, %dma_start3A_5] : memref<2x16x125x80xi32, #tpu.memory_space<hbm>> -> memref<1x1x125x80xi32, #tpu.memory_space<hbm>>
    %dma_start3A_7 = tpu.memref_squeeze %dma_start3A_6 : memref<1x1x125x80xi32, #tpu.memory_space<hbm>> -> memref<125x80xi32, #tpu.memory_space<hbm>>
    %dma_start3A_8 = arith.constant 0 : i32
    %dma_start3A_9 = arith.constant 0 : i32
    %dma_start3A_10 = tpu.memref_slice %arg4[%arg0, %arg1, %dma_start3A_8, %dma_start3A_9] : memref<2x16x125x80xi32, #tpu.memory_space<hbm>> -> memref<1x1x125x80xi32, #tpu.memory_space<hbm>>
    %dma_start3A_11 = tpu.memref_squeeze %dma_start3A_10 : memref<1x1x125x80xi32, #tpu.memory_space<hbm>> -> memref<125x80xi32, #tpu.memory_space<hbm>>
    tpu.enqueue_dma source(%dma_start3A_11 : memref<125x80xi32, #tpu.memory_space<hbm>>) target(%arg8 : memref<125x80xi32, #tpu.memory_space<vmem>>) target_semaphore(%arg12 : memref<!tpu.dma_semaphore, #tpu.memory_space<semaphore_mem>>)
    %scan3A = arith.constant 0 : i32
    %scan3A_12 = arith.constant 0 : i32
    %scan3A_13 = arith.constant 640 : i32
    %scan3A_14 = arith.addi %scan3A_12, %scan3A_13 : i32
    %scan3A_15 = arith.constant 1 : i32
    scf.for %scan3A_50 = %scan3A_12 to %scan3A_14 step %scan3A_15  : i32 {
      %broadcast_in_dim3A = arith.constant 0.000000e+00 : f32
      %broadcast_in_dim3A_51 = vector.broadcast %broadcast_in_dim3A : f32 to vector<16xf32>
      %jit3A = arith.constant 8 : i32
      %div3A = arith.divsi %scan3A_50, %jit3A : i32
      %sign3A = arith.constant 0 : i32
      %sign3A_52 = arith.cmpi sgt, %scan3A_50, %sign3A : i32
      %sign3A_53 = arith.extui %sign3A_52 : i1 to i32
      %sign3A_54 = arith.constant 0 : i32
      %sign3A_55 = arith.cmpi slt, %scan3A_50, %sign3A_54 : i32
      %sign3A_56 = arith.extui %sign3A_55 : i1 to i32
      %sign3A_57 = arith.subi %sign3A_53, %sign3A_56 : i32
      %sign3A_58 = arith.constant 0 : i32
      %sign3A_59 = arith.cmpi sgt, %jit3A, %sign3A_58 : i32
      %sign3A_60 = arith.extui %sign3A_59 : i1 to i32
      %sign3A_61 = arith.constant 0 : i32
      %sign3A_62 = arith.cmpi slt, %jit3A, %sign3A_61 : i32
      %sign3A_63 = arith.extui %sign3A_62 : i1 to i32
      %sign3A_64 = arith.subi %sign3A_60, %sign3A_63 : i32
      %ne3A = arith.cmpi ne, %sign3A_57, %sign3A_64 : i32
      %rem3A = arith.remsi %scan3A_50, %jit3A : i32
      %ne3A_65 = arith.constant 0 : i32
      %ne3A_66 = arith.cmpi ne, %rem3A, %ne3A_65 : i32
      %and3A = arith.andi %ne3A, %ne3A_66 : i1
      %sub3A = arith.constant 1 : i32
      %sub3A_67 = arith.subi %div3A, %sub3A : i32
      %select_n3A = arith.select %and3A, %sub3A_67, %div3A : i32
      %jit3A_68 = arith.constant 8 : i32
      %eq3A = arith.constant 0 : i32
      %eq3A_69 = arith.cmpi eq, %jit3A_68, %eq3A : i32
      %jit3A_70 = arith.constant 1 : i32
      %select_n3A_71 = arith.select %eq3A_69, %jit3A_70, %jit3A_68 : i32
      %rem3A_72 = arith.remsi %scan3A_50, %select_n3A_71 : i32
      %ne3A_73 = arith.constant 0 : i32
      %ne3A_74 = arith.cmpi ne, %rem3A_72, %ne3A_73 : i32
      %lt3A = arith.constant 0 : i32
      %lt3A_75 = arith.cmpi slt, %rem3A_72, %lt3A : i32
      %lt3A_76 = arith.constant 0 : i32
      %lt3A_77 = arith.cmpi slt, %select_n3A_71, %lt3A_76 : i32
      %ne3A_78 = arith.xori %lt3A_75, %lt3A_77 : i1
      %and3A_79 = arith.andi %ne3A_78, %ne3A_74 : i1
      %add3A_80 = arith.addi %rem3A_72, %select_n3A_71 : i32
      %select_n3A_81 = arith.select %and3A_79, %add3A_80, %rem3A_72 : i32
      %mul3A_82 = arith.constant 16 : i32
      %mul3A_83 = arith.muli %mul3A_82, %select_n3A_81 : i32
      %swap3A = arith.index_cast %select_n3A : i32 to index
      %swap3A_84 = arith.index_cast %mul3A_83 : i32 to index
      %swap3A_85 = tpu.vector_load %arg9[%swap3A, %swap3A_84] {strides = array<i32>} : memref<80x128xf32, #tpu.memory_space<vmem>>, vector<1x16xf32>,
      %swap3A_86 = vector.shape_cast %swap3A_85 : vector<1x16xf32> to vector<16xf32>
      %swap3A_87 = vector.shape_cast %broadcast_in_dim3A_51 : vector<16xf32> to vector<1x16xf32>
      tpu.vector_store %arg9[%swap3A, %swap3A_84], %swap3A_87 {strides = array<i32>} : memref<80x128xf32, #tpu.memory_space<vmem>>, vector<1x16xf32>,
    }
    %scan3A_16 = arith.constant 640 : i32
    %scan3A_17 = arith.constant 0 : i32
    %scan3A_18 = arith.constant 0 : i32
    %scan3A_19 = arith.constant 8 : i32
    %scan3A_20 = arith.addi %scan3A_18, %scan3A_19 : i32
    %scan3A_21 = arith.constant 1 : i32
    scf.for %scan3A_50 = %scan3A_18 to %scan3A_20 step %scan3A_21  : i32 {
      %mul3A_51 = arith.constant 632 : i32
      %mul3A_52 = arith.muli %arg1, %mul3A_51 : i32
      %mul3A_53 = arith.constant 79 : i32
      %mul3A_54 = arith.muli %scan3A_50, %mul3A_53 : i32
      %add3A_55 = arith.addi %mul3A_52, %mul3A_54 : i32
      "tpu.region"() ({
        %run_scoped3A = tpu.sem_alloc : memref<!tpu.dma_semaphore, #tpu.memory_space<semaphore_mem>>
        %dma_start3A_56 = arith.constant 0 : i32
        %dma_start3A_57 = arith.constant 0 : i32
        %dma_start3A_58 = tpu.memref_slice %arg9[%dma_start3A_56, %dma_start3A_57] : memref<80x128xf32, #tpu.memory_space<vmem>> -> memref<79x128xf32, #tpu.memory_space<vmem>>
        %dma_start3A_59 = arith.constant 0 : i32
        %dma_start3A_60 = tpu.memref_slice %arg6[%add3A_55, %dma_start3A_59] : memref<10112x128xf32, #tpu.memory_space<vmem_shared>> -> memref<79x128xf32, #tpu.memory_space<vmem_shared>>
        %dma_start3A_61 = arith.constant 0 : i32
        %dma_start3A_62 = tpu.memref_slice %arg6[%add3A_55, %dma_start3A_61] : memref<10112x128xf32, #tpu.memory_space<vmem_shared>> -> memref<79x128xf32, #tpu.memory_space<vmem_shared>>
        %dma_start3A_63 = arith.constant 0 : i32
        %dma_start3A_64 = arith.constant 0 : i32
        %dma_start3A_65 = tpu.memref_slice %arg9[%dma_start3A_63, %dma_start3A_64] : memref<80x128xf32, #tpu.memory_space<vmem>> -> memref<79x128xf32, #tpu.memory_space<vmem>>
        tpu.enqueue_dma source(%dma_start3A_65 : memref<79x128xf32, #tpu.memory_space<vmem>>) target(%dma_start3A_62 : memref<79x128xf32, #tpu.memory_space<vmem_shared>>) target_semaphore(%run_scoped3A : memref<!tpu.dma_semaphore, #tpu.memory_space<semaphore_mem>>)
        %dma_wait3A_66 = arith.constant 0 : i32
        %dma_wait3A_67 = arith.constant 0 : i32
        %dma_wait3A_68 = tpu.memref_slice %arg9[%dma_wait3A_66, %dma_wait3A_67] : memref<80x128xf32, #tpu.memory_space<vmem>> -> memref<79x128xf32, #tpu.memory_space<vmem>>
        %dma_wait3A_69 = arith.constant 0 : i32
        %dma_wait3A_70 = tpu.memref_slice %arg6[%add3A_55, %dma_wait3A_69] : memref<10112x128xf32, #tpu.memory_space<vmem_shared>> -> memref<79x128xf32, #tpu.memory_space<vmem_shared>>
        %dma_wait3A_71 = arith.constant 0 : i32
        %dma_wait3A_72 = tpu.memref_slice %arg6[%add3A_55, %dma_wait3A_71] : memref<10112x128xf32, #tpu.memory_space<vmem_shared>> -> memref<79x128xf32, #tpu.memory_space<vmem_shared>>
        %dma_wait3A_73 = arith.constant 0 : i32
        %dma_wait3A_74 = arith.constant 0 : i32
        %dma_wait3A_75 = tpu.memref_slice %arg9[%dma_wait3A_73, %dma_wait3A_74] : memref<80x128xf32, #tpu.memory_space<vmem>> -> memref<79x128xf32, #tpu.memory_space<vmem>>
        tpu.wait_dma2 semaphore(%run_scoped3A : memref<!tpu.dma_semaphore, #tpu.memory_space<semaphore_mem>>) src(%dma_wait3A_75 : memref<79x128xf32, #tpu.memory_space<vmem>>) dst(%dma_wait3A_72 : memref<79x128xf32, #tpu.memory_space<vmem_shared>>)
        tpu.yield
      }) : () -> ()
    }
    %scan3A_22 = arith.constant 8 : i32
    %mul3A_23 = arith.constant 10000 : i32
    %mul3A_24 = arith.muli %add3A, %mul3A_23 : i32
    %dma_wait3A = tpu.memref_slice %arg3[%mul3A_24] : memref<320000xi32, #tpu.memory_space<hbm>> -> memref<10000xi32, #tpu.memory_space<hbm>>
    %dma_wait3A_25 = tpu.memref_slice %arg3[%mul3A_24] : memref<320000xi32, #tpu.memory_space<hbm>> -> memref<10000xi32, #tpu.memory_space<hbm>>
    tpu.wait_dma2 semaphore(%arg11 : memref<!tpu.dma_semaphore, #tpu.memory_space<semaphore_mem>>) src(%dma_wait3A_25 : memref<10000xi32, #tpu.memory_space<hbm>>) dst(%arg7 : memref<10000xi32, #tpu.memory_space<vmem>>)
    %dma_wait3A_26 = arith.constant 0 : i32
    %dma_wait3A_27 = arith.constant 0 : i32
    %dma_wait3A_28 = tpu.memref_slice %arg4[%arg0, %arg1, %dma_wait3A_26, %dma_wait3A_27] : memref<2x16x125x80xi32, #tpu.memory_space<hbm>> -> memref<1x1x125x80xi32, #tpu.memory_space<hbm>>
    %dma_wait3A_29 = tpu.memref_squeeze %dma_wait3A_28 : memref<1x1x125x80xi32, #tpu.memory_space<hbm>> -> memref<125x80xi32, #tpu.memory_space<hbm>>
    %dma_wait3A_30 = arith.constant 0 : i32
    %dma_wait3A_31 = arith.constant 0 : i32
    %dma_wait3A_32 = tpu.memref_slice %arg4[%arg0, %arg1, %dma_wait3A_30, %dma_wait3A_31] : memref<2x16x125x80xi32, #tpu.memory_space<hbm>> -> memref<1x1x125x80xi32, #tpu.memory_space<hbm>>
    %dma_wait3A_33 = tpu.memref_squeeze %dma_wait3A_32 : memref<1x1x125x80xi32, #tpu.memory_space<hbm>> -> memref<125x80xi32, #tpu.memory_space<hbm>>
    tpu.wait_dma2 semaphore(%arg12 : memref<!tpu.dma_semaphore, #tpu.memory_space<semaphore_mem>>) src(%dma_wait3A_33 : memref<125x80xi32, #tpu.memory_space<hbm>>) dst(%arg8 : memref<125x80xi32, #tpu.memory_space<vmem>>)
    %barrier3A = arith.constant 0 : index
    tpu.barrier barrier_id(%barrier3A)
    %dma_start3A_34 = arith.constant 0 : i32
    %dma_start3A_35 = tpu.memref_slice %arg7[%dma_start3A_34] : memref<10000xi32, #tpu.memory_space<vmem>> -> memref<80xi32, #tpu.memory_space<vmem>>
    %dma_start3A_36 = arith.constant 0 : i32
    %dma_start3A_37 = arith.constant 0 : i32
    %dma_start3A_38 = tpu.memref_slice %arg2[%dma_start3A_36, %dma_start3A_37] : memref<10000x128xf32, #tpu.memory_space<hbm>> -> memref<10000x128xf32, #tpu.memory_space<hbm>>
    tpu.enqueue_indirect_dma source(%dma_start3A_38 : memref<10000x128xf32, #tpu.memory_space<hbm>>) target(%arg9 : memref<80x128xf32, #tpu.memory_space<vmem>>) offsets(%dma_start3A_35 : memref<80xi32, #tpu.memory_space<vmem>>) semaphore(%arg11 : memref<!tpu.dma_semaphore, #tpu.memory_space<semaphore_mem>>)
    %scan3A_39 = arith.constant 0 : i32
    %scan3A_40 = arith.constant 0 : i32
    %scan3A_41 = arith.constant 63 : i32
    %scan3A_42 = arith.addi %scan3A_40, %scan3A_41 : i32
    %scan3A_43 = arith.constant 1 : i32
    scf.for %scan3A_50 = %scan3A_40 to %scan3A_42 step %scan3A_43  : i32 {
      %mul3A_51 = arith.constant 2 : i32
      %mul3A_52 = arith.muli %mul3A_51, %scan3A_50 : i32
      %add3A_53 = arith.constant 1 : i32
      %add3A_54 = arith.addi %mul3A_52, %add3A_53 : i32
      %lt3A = arith.constant 125 : i32
      %lt3A_55 = arith.cmpi slt, %add3A_54, %lt3A : i32
      %convert_element_type3A = arith.extui %lt3A_55 : i1 to i32
      %cond3A = arith.constant 0 : i32
      %cond3A_56 = arith.cmpi ne, %convert_element_type3A, %cond3A : i32
      scf.if %cond3A_56 {
        %add3A_77 = arith.constant 1 : i32
        %add3A_78 = arith.addi %mul3A_52, %add3A_77 : i32
        %mul3A_79 = arith.constant 80 : i32
        %mul3A_80 = arith.muli %add3A_78, %mul3A_79 : i32
        %dma_start3A_81 = tpu.memref_slice %arg7[%mul3A_80] : memref<10000xi32, #tpu.memory_space<vmem>> -> memref<80xi32, #tpu.memory_space<vmem>>
        %dma_start3A_82 = arith.constant 0 : i32
        %dma_start3A_83 = arith.constant 0 : i32
        %dma_start3A_84 = tpu.memref_slice %arg2[%dma_start3A_82, %dma_start3A_83] : memref<10000x128xf32, #tpu.memory_space<hbm>> -> memref<10000x128xf32, #tpu.memory_space<hbm>>
        tpu.enqueue_indirect_dma source(%dma_start3A_84 : memref<10000x128xf32, #tpu.memory_space<hbm>>) target(%arg10 : memref<80x128xf32, #tpu.memory_space<vmem>>) offsets(%dma_start3A_81 : memref<80xi32, #tpu.memory_space<vmem>>) semaphore(%arg12 : memref<!tpu.dma_semaphore, #tpu.memory_space<semaphore_mem>>)
      } else {
      }
      %mul3A_57 = arith.constant 80 : i32
      %mul3A_58 = arith.muli %mul3A_52, %mul3A_57 : i32
      %dma_wait3A_59 = tpu.memref_slice %arg7[%mul3A_58] : memref<10000xi32, #tpu.memory_space<vmem>> -> memref<80xi32, #tpu.memory_space<vmem>>
      %dma_wait3A_60 = arith.constant 0 : i32
      %dma_wait3A_61 = arith.constant 0 : i32
      %dma_wait3A_62 = tpu.memref_slice %arg2[%dma_wait3A_60, %dma_wait3A_61] : memref<10000x128xf32, #tpu.memory_space<hbm>> -> memref<10000x128xf32, #tpu.memory_space<hbm>>
      tpu.wait_indirect_dma semaphore(%arg11 : memref<!tpu.dma_semaphore, #tpu.memory_space<semaphore_mem>>) src(%dma_wait3A_62 : memref<10000x128xf32, #tpu.memory_space<hbm>>) dst(%arg9 : memref<80x128xf32, #tpu.memory_space<vmem>>)
      "tpu.region"() ({
        %run_scoped3A = tpu.sem_alloc : memref<!tpu.dma_semaphore, #tpu.memory_space<semaphore_mem>>
        %dma_start3A_77 = arith.constant 0 : i32
        %dma_start3A_78 = tpu.memref_slice %arg8[%mul3A_52, %dma_start3A_77] : memref<125x80xi32, #tpu.memory_space<vmem>> -> memref<1x80xi32, #tpu.memory_space<vmem>>
        %dma_start3A_79 = tpu.memref_squeeze %dma_start3A_78 : memref<1x80xi32, #tpu.memory_space<vmem>> -> memref<80xi32, #tpu.memory_space<vmem>>
        %dma_start3A_80 = arith.constant 0 : i32
        %dma_start3A_81 = arith.constant 0 : i32
        %dma_start3A_82 = tpu.memref_slice %arg6[%dma_start3A_80, %dma_start3A_81] : memref<10112x128xf32, #tpu.memory_space<vmem_shared>> -> memref<10112x128xf32, #tpu.memory_space<vmem_shared>>
        tpu.enqueue_indirect_dma source(%arg9 : memref<80x128xf32, #tpu.memory_space<vmem>>) target(%dma_start3A_82 : memref<10112x128xf32, #tpu.memory_space<vmem_shared>>) offsets(%dma_start3A_79 : memref<80xi32, #tpu.memory_space<vmem>>) semaphore(%run_scoped3A : memref<!tpu.dma_semaphore, #tpu.memory_space<semaphore_mem>>) {add = true}
        %dma_wait3A_83 = arith.constant 0 : i32
        %dma_wait3A_84 = tpu.memref_slice %arg8[%mul3A_52, %dma_wait3A_83] : memref<125x80xi32, #tpu.memory_space<vmem>> -> memref<1x80xi32, #tpu.memory_space<vmem>>
        %dma_wait3A_85 = tpu.memref_squeeze %dma_wait3A_84 : memref<1x80xi32, #tpu.memory_space<vmem>> -> memref<80xi32, #tpu.memory_space<vmem>>
        %dma_wait3A_86 = arith.constant 0 : i32
        %dma_wait3A_87 = arith.constant 0 : i32
        %dma_wait3A_88 = tpu.memref_slice %arg6[%dma_wait3A_86, %dma_wait3A_87] : memref<10112x128xf32, #tpu.memory_space<vmem_shared>> -> memref<10112x128xf32, #tpu.memory_space<vmem_shared>>
        tpu.wait_indirect_dma semaphore(%run_scoped3A : memref<!tpu.dma_semaphore, #tpu.memory_space<semaphore_mem>>) src(%arg9 : memref<80x128xf32, #tpu.memory_space<vmem>>) dst(%dma_wait3A_88 : memref<10112x128xf32, #tpu.memory_space<vmem_shared>>)
        tpu.yield
      }) : () -> ()
      %add3A_63 = arith.constant 2 : i32
      %add3A_64 = arith.addi %mul3A_52, %add3A_63 : i32
      %lt3A_65 = arith.constant 125 : i32
      %lt3A_66 = arith.cmpi slt, %add3A_64, %lt3A_65 : i32
      %convert_element_type3A_67 = arith.extui %lt3A_66 : i1 to i32
      %cond3A_68 = arith.constant 0 : i32
      %cond3A_69 = arith.cmpi ne, %convert_element_type3A_67, %cond3A_68 : i32
      scf.if %cond3A_69 {
        %add3A_77 = arith.constant 2 : i32
        %add3A_78 = arith.addi %mul3A_52, %add3A_77 : i32
        %mul3A_79 = arith.constant 80 : i32
        %mul3A_80 = arith.muli %add3A_78, %mul3A_79 : i32
        %dma_start3A_81 = tpu.memref_slice %arg7[%mul3A_80] : memref<10000xi32, #tpu.memory_space<vmem>> -> memref<80xi32, #tpu.memory_space<vmem>>
        %dma_start3A_82 = arith.constant 0 : i32
        %dma_start3A_83 = arith.constant 0 : i32
        %dma_start3A_84 = tpu.memref_slice %arg2[%dma_start3A_82, %dma_start3A_83] : memref<10000x128xf32, #tpu.memory_space<hbm>> -> memref<10000x128xf32, #tpu.memory_space<hbm>>
        tpu.enqueue_indirect_dma source(%dma_start3A_84 : memref<10000x128xf32, #tpu.memory_space<hbm>>) target(%arg9 : memref<80x128xf32, #tpu.memory_space<vmem>>) offsets(%dma_start3A_81 : memref<80xi32, #tpu.memory_space<vmem>>) semaphore(%arg11 : memref<!tpu.dma_semaphore, #tpu.memory_space<semaphore_mem>>)
      } else {
      }
      %add3A_70 = arith.constant 1 : i32
      %add3A_71 = arith.addi %mul3A_52, %add3A_70 : i32
      %lt3A_72 = arith.constant 125 : i32
      %lt3A_73 = arith.cmpi slt, %add3A_71, %lt3A_72 : i32
      %convert_element_type3A_74 = arith.extui %lt3A_73 : i1 to i32
      %cond3A_75 = arith.constant 0 : i32
      %cond3A_76 = arith.cmpi ne, %convert_element_type3A_74, %cond3A_75 : i32
      scf.if %cond3A_76 {
        %add3A_77 = arith.constant 1 : i32
        %add3A_78 = arith.addi %mul3A_52, %add3A_77 : i32
        %mul3A_79 = arith.constant 80 : i32
        %mul3A_80 = arith.muli %add3A_78, %mul3A_79 : i32
        %dma_wait3A_81 = tpu.memref_slice %arg7[%mul3A_80] : memref<10000xi32, #tpu.memory_space<vmem>> -> memref<80xi32, #tpu.memory_space<vmem>>
        %dma_wait3A_82 = arith.constant 0 : i32
        %dma_wait3A_83 = arith.constant 0 : i32
        %dma_wait3A_84 = tpu.memref_slice %arg2[%dma_wait3A_82, %dma_wait3A_83] : memref<10000x128xf32, #tpu.memory_space<hbm>> -> memref<10000x128xf32, #tpu.memory_space<hbm>>
        tpu.wait_indirect_dma semaphore(%arg12 : memref<!tpu.dma_semaphore, #tpu.memory_space<semaphore_mem>>) src(%dma_wait3A_84 : memref<10000x128xf32, #tpu.memory_space<hbm>>) dst(%arg10 : memref<80x128xf32, #tpu.memory_space<vmem>>)
        "tpu.region"() ({
          %run_scoped3A = tpu.sem_alloc : memref<!tpu.dma_semaphore, #tpu.memory_space<semaphore_mem>>
          %dma_start3A_85 = arith.constant 0 : i32
          %dma_start3A_86 = tpu.memref_slice %arg8[%add3A_78, %dma_start3A_85] : memref<125x80xi32, #tpu.memory_space<vmem>> -> memref<1x80xi32, #tpu.memory_space<vmem>>
          %dma_start3A_87 = tpu.memref_squeeze %dma_start3A_86 : memref<1x80xi32, #tpu.memory_space<vmem>> -> memref<80xi32, #tpu.memory_space<vmem>>
          %dma_start3A_88 = arith.constant 0 : i32
          %dma_start3A_89 = arith.constant 0 : i32
          %dma_start3A_90 = tpu.memref_slice %arg6[%dma_start3A_88, %dma_start3A_89] : memref<10112x128xf32, #tpu.memory_space<vmem_shared>> -> memref<10112x128xf32, #tpu.memory_space<vmem_shared>>
          tpu.enqueue_indirect_dma source(%arg10 : memref<80x128xf32, #tpu.memory_space<vmem>>) target(%dma_start3A_90 : memref<10112x128xf32, #tpu.memory_space<vmem_shared>>) offsets(%dma_start3A_87 : memref<80xi32, #tpu.memory_space<vmem>>) semaphore(%run_scoped3A : memref<!tpu.dma_semaphore, #tpu.memory_space<semaphore_mem>>) {add = true}
          %dma_wait3A_91 = arith.constant 0 : i32
          %dma_wait3A_92 = tpu.memref_slice %arg8[%add3A_78, %dma_wait3A_91] : memref<125x80xi32, #tpu.memory_space<vmem>> -> memref<1x80xi32, #tpu.memory_space<vmem>>
          %dma_wait3A_93 = tpu.memref_squeeze %dma_wait3A_92 : memref<1x80xi32, #tpu.memory_space<vmem>> -> memref<80xi32, #tpu.memory_space<vmem>>
          %dma_wait3A_94 = arith.constant 0 : i32
          %dma_wait3A_95 = arith.constant 0 : i32
          %dma_wait3A_96 = tpu.memref_slice %arg6[%dma_wait3A_94, %dma_wait3A_95] : memref<10112x128xf32, #tpu.memory_space<vmem_shared>> -> memref<10112x128xf32, #tpu.memory_space<vmem_shared>>
          tpu.wait_indirect_dma semaphore(%run_scoped3A : memref<!tpu.dma_semaphore, #tpu.memory_space<semaphore_mem>>) src(%arg10 : memref<80x128xf32, #tpu.memory_space<vmem>>) dst(%dma_wait3A_96 : memref<10112x128xf32, #tpu.memory_space<vmem_shared>>)
          tpu.yield
        }) : () -> ()
      } else {
      }
    }
    %scan3A_44 = arith.constant 63 : i32
    %barrier3A_45 = arith.constant 0 : index
    tpu.barrier barrier_id(%barrier3A_45)
    %mul3A_46 = arith.constant 632 : i32
    %mul3A_47 = arith.muli %arg1, %mul3A_46 : i32
    %mul3A_48 = arith.constant 632 : i32
    %mul3A_49 = arith.muli %arg1, %mul3A_48 : i32
    "tpu.region"() ({
      %run_scoped3A = tpu.sem_alloc : memref<!tpu.dma_semaphore, #tpu.memory_space<semaphore_mem>>
      %dma_start3A_50 = arith.constant 0 : i32
      %dma_start3A_51 = tpu.memref_slice %arg5[%arg0, %mul3A_49, %dma_start3A_50] : memref<2x10112x128xf32, #tpu.memory_space<hbm>> -> memref<1x632x128xf32, #tpu.memory_space<hbm>>
      %dma_start3A_52 = tpu.memref_squeeze %dma_start3A_51 : memref<1x632x128xf32, #tpu.memory_space<hbm>> -> memref<632x128xf32, #tpu.memory_space<hbm>>
      %dma_start3A_53 = arith.constant 0 : i32
      %dma_start3A_54 = tpu.memref_slice %arg6[%mul3A_47, %dma_start3A_53] : memref<10112x128xf32, #tpu.memory_space<vmem_shared>> -> memref<632x128xf32, #tpu.memory_space<vmem_shared>>
      tpu.enqueue_dma source(%dma_start3A_54 : memref<632x128xf32, #tpu.memory_space<vmem_shared>>) target(%dma_start3A_52 : memref<632x128xf32, #tpu.memory_space<hbm>>) target_semaphore(%run_scoped3A : memref<!tpu.dma_semaphore, #tpu.memory_space<semaphore_mem>>)
      %dma_wait3A_55 = arith.constant 0 : i32
      %dma_wait3A_56 = tpu.memref_slice %arg5[%arg0, %mul3A_49, %dma_wait3A_55] : memref<2x10112x128xf32, #tpu.memory_space<hbm>> -> memref<1x632x128xf32, #tpu.memory_space<hbm>>
      %dma_wait3A_57 = tpu.memref_squeeze %dma_wait3A_56 : memref<1x632x128xf32, #tpu.memory_space<hbm>> -> memref<632x128xf32, #tpu.memory_space<hbm>>
      %dma_wait3A_58 = arith.constant 0 : i32
      %dma_wait3A_59 = tpu.memref_slice %arg6[%mul3A_47, %dma_wait3A_58] : memref<10112x128xf32, #tpu.memory_space<vmem_shared>> -> memref<632x128xf32, #tpu.memory_space<vmem_shared>>
      tpu.wait_dma2 semaphore(%run_scoped3A : memref<!tpu.dma_semaphore, #tpu.memory_space<semaphore_mem>>) src(%dma_wait3A_59 : memref<632x128xf32, #tpu.memory_space<vmem_shared>>) dst(%dma_wait3A_57 : memref<632x128xf32, #tpu.memory_space<hbm>>)
      tpu.yield
    }) : () -> ()
    return
  }
}

module attributes {stable_mosaic.version = 14 : i64} {
  func.func @_tcs_body(%arg0: i32, %arg1: memref<2000x128xf32, #tpu.memory_space<vmem>>, %arg2: memref<2x2000x16xf32, #tpu.memory_space<vmem>>, %arg3: memref<2000x128xf32, #tpu.memory_space<vmem>>) attributes {dimension_semantics = [#tpu.dimension_semantics<arbitrary>], iteration_bounds = array<i64: 5>, scalar_prefetch = 0 : i64, scratch_operands = 0 : i64, tpu.core_type = #tpu.core_type<tc>, window_params = [{transform_indices = @transform_0, window_bounds = array<i64: 2000, 128>}, {transform_indices = @transform_1, window_bounds = array<i64: 2, 2000, 16>}, {transform_indices = @transform_2, window_bounds = array<i64: 2000, 128>}]} {
    %get3A = arith.constant 0 : index
    %get3A_0 = arith.constant 0 : index
    %get3A_1 = vector.load %arg1[%get3A, %get3A_0] : memref<2000x128xf32, #tpu.memory_space<vmem>>, vector<2000x128xf32>
    %get3A_2 = arith.constant 0 : index
    %get3A_3 = arith.constant 0 : index
    %get3A_4 = arith.constant 0 : index
    %get3A_5 = vector.load %arg2[%get3A_2, %get3A_3, %get3A_4] : memref<2x2000x16xf32, #tpu.memory_space<vmem>>, vector<1x2000x16xf32>
    %get3A_6 = vector.shape_cast %get3A_5 : vector<1x2000x16xf32> to vector<2000x16xf32>
    %slice3A = vector.extract_strided_slice %get3A_6 {offsets = [0, 0], sizes = [2000, 1], strides = [1, 1]} : vector<2000x16xf32> to vector<2000x1xf32>
    %get3A_7 = arith.constant 1 : index
    %get3A_8 = arith.constant 0 : index
    %get3A_9 = arith.constant 0 : index
    %get3A_10 = vector.load %arg2[%get3A_7, %get3A_8, %get3A_9] : memref<2x2000x16xf32, #tpu.memory_space<vmem>>, vector<1x2000x16xf32>
    %get3A_11 = vector.shape_cast %get3A_10 : vector<1x2000x16xf32> to vector<2000x16xf32>
    %slice3A_12 = vector.extract_strided_slice %get3A_11 {offsets = [0, 0], sizes = [2000, 1], strides = [1, 1]} : vector<2000x16xf32> to vector<2000x1xf32>
    %add3A = arith.addf %slice3A, %slice3A_12 : vector<2000x1xf32>
    %add3A_13 = arith.constant 1.000000e+00 : f32
    %add3A_14 = vector.broadcast %add3A_13 : f32 to vector<2000x1xf32>
    %add3A_15 = arith.addf %add3A, %add3A_14 : vector<2000x1xf32>
    %rsqrt3A = math.rsqrt %add3A_15 : vector<2000x1xf32>
    %mul3A = vector.broadcast %rsqrt3A : vector<2000x1xf32> to vector<2000x128xf32>
    %mul3A_16 = arith.mulf %get3A_1, %mul3A : vector<2000x128xf32>
    %swap3A = arith.constant 0 : index
    %swap3A_17 = arith.constant 0 : index
    %swap3A_18 = vector.load %arg3[%swap3A, %swap3A_17] : memref<2000x128xf32, #tpu.memory_space<vmem>>, vector<2000x128xf32>
    tpu.vector_store %arg3[%swap3A, %swap3A_17], %mul3A_16 {strides = array<i32>} : memref<2000x128xf32, #tpu.memory_space<vmem>>, vector<2000x128xf32>,
    return
  }
  func.func @transform_0(%arg0: i32) -> (i32, i32) {
    %c0_i32 = arith.constant 0 : i32
    %c0_i32_0 = arith.constant 0 : i32
    return %arg0, %c0_i32 : i32, i32
  }
  func.func @transform_1(%arg0: i32) -> (i32, i32, i32) {
    %c0_i32 = arith.constant 0 : i32
    %c0_i32_0 = arith.constant 0 : i32
    %c0_i32_1 = arith.constant 0 : i32
    return %c0_i32, %arg0, %c0_i32_0 : i32, i32, i32
  }
  func.func @transform_2(%arg0: i32) -> (i32, i32) {
    %c0_i32 = arith.constant 0 : i32
    %c0_i32_0 = arith.constant 0 : i32
    return %arg0, %c0_i32 : i32, i32
  }
}

module attributes {stable_mosaic.version = 14 : i64} {
  func.func @_tcmm_body(%arg0: i32, %arg1: memref<2000x128xf32, #tpu.memory_space<vmem>>, %arg2: memref<128x128xf32, #tpu.memory_space<vmem>>, %arg3: memref<2000x128xf32, #tpu.memory_space<vmem>>) attributes {dimension_semantics = [#tpu.dimension_semantics<arbitrary>], iteration_bounds = array<i64: 5>, scalar_prefetch = 0 : i64, scratch_operands = 0 : i64, tpu.core_type = #tpu.core_type<tc>, window_params = [{transform_indices = @transform_0, window_bounds = array<i64: 2000, 128>}, {pipeline_mode = #tpu.pipeline_mode<synchronous>, transform_indices = @transform_1, window_bounds = array<i64: 128, 128>}, {transform_indices = @transform_2, window_bounds = array<i64: 2000, 128>}]} {
    %get3A = arith.constant 0 : index
    %get3A_0 = arith.constant 0 : index
    %get3A_1 = vector.load %arg1[%get3A, %get3A_0] : memref<2000x128xf32, #tpu.memory_space<vmem>>, vector<2000x128xf32>
    %get3A_2 = arith.constant 0 : index
    %get3A_3 = arith.constant 0 : index
    %get3A_4 = vector.load %arg2[%get3A_2, %get3A_3] : memref<128x128xf32, #tpu.memory_space<vmem>>, vector<128x128xf32>
    %dot_general3A = arith.constant dense<0.000000e+00> : vector<2000x128xf32>
    %dot_general3A_5 = tpu.matmul %get3A_1, %get3A_4, %dot_general3A {dimension_numbers = #tpu.dot_dimension_numbers<[1], [0], [0], [1], [0, 0, 1, 1], [], []>, transpose_lhs_hint = false} : vector<2000x128xf32>, vector<128x128xf32>, vector<2000x128xf32> -> vector<2000x128xf32>
    %swap3A = arith.constant 0 : index
    %swap3A_6 = arith.constant 0 : index
    %swap3A_7 = vector.load %arg3[%swap3A, %swap3A_6] : memref<2000x128xf32, #tpu.memory_space<vmem>>, vector<2000x128xf32>
    tpu.vector_store %arg3[%swap3A, %swap3A_6], %dot_general3A_5 {strides = array<i32>} : memref<2000x128xf32, #tpu.memory_space<vmem>>, vector<2000x128xf32>,
    return
  }
  func.func @transform_0(%arg0: i32) -> (i32, i32) {
    %c0_i32 = arith.constant 0 : i32
    %c0_i32_0 = arith.constant 0 : i32
    return %arg0, %c0_i32 : i32, i32
  }
  func.func @transform_1(%arg0: i32) -> (i32, i32) {
    %c0_i32 = arith.constant 0 : i32
    %c0_i32_0 = arith.constant 0 : i32
    %c0_i32_1 = arith.constant 0 : i32
    return %c0_i32, %c0_i32_0 : i32, i32
  }
  func.func @transform_2(%arg0: i32) -> (i32, i32) {
    %c0_i32 = arith.constant 0 : i32
    %c0_i32_0 = arith.constant 0 : i32
    return %arg0, %c0_i32 : i32, i32
  }
}

module attributes {stable_mosaic.version = 14 : i64} {
  func.func @_tcb_body(%arg0: i32, %arg1: memref<2x2000x128xf32, #tpu.memory_space<vmem>>, %arg2: memref<2000x128xf32, #tpu.memory_space<vmem>>, %arg3: memref<2x2000x16xf32, #tpu.memory_space<vmem>>, %arg4: memref<1x128xf32, #tpu.memory_space<vmem>>, %arg5: memref<128x128xf32, #tpu.memory_space<vmem>>, %arg6: memref<2000x128xf32, #tpu.memory_space<vmem>>) attributes {dimension_semantics = [#tpu.dimension_semantics<arbitrary>], iteration_bounds = array<i64: 5>, scalar_prefetch = 0 : i64, scratch_operands = 0 : i64, tpu.core_type = #tpu.core_type<tc>, window_params = [{transform_indices = @transform_0, window_bounds = array<i64: 2, 2000, 128>}, {transform_indices = @transform_1, window_bounds = array<i64: 2000, 128>}, {transform_indices = @transform_2, window_bounds = array<i64: 2, 2000, 16>}, {pipeline_mode = #tpu.pipeline_mode<synchronous>, transform_indices = @transform_3, window_bounds = array<i64: 1, 128>}, {pipeline_mode = #tpu.pipeline_mode<synchronous>, transform_indices = @transform_4, window_bounds = array<i64: 128, 128>}, {transform_indices = @transform_5, window_bounds = array<i64: 2000, 128>}]} {
    %get3A = arith.constant 0 : index
    %get3A_0 = arith.constant 0 : index
    %get3A_1 = arith.constant 0 : index
    %get3A_2 = vector.load %arg3[%get3A, %get3A_0, %get3A_1] : memref<2x2000x16xf32, #tpu.memory_space<vmem>>, vector<1x2000x16xf32>
    %get3A_3 = vector.shape_cast %get3A_2 : vector<1x2000x16xf32> to vector<2000x16xf32>
    %slice3A = vector.extract_strided_slice %get3A_3 {offsets = [0, 0], sizes = [2000, 1], strides = [1, 1]} : vector<2000x16xf32> to vector<2000x1xf32>
    %get3A_4 = arith.constant 1 : index
    %get3A_5 = arith.constant 0 : index
    %get3A_6 = arith.constant 0 : index
    %get3A_7 = vector.load %arg3[%get3A_4, %get3A_5, %get3A_6] : memref<2x2000x16xf32, #tpu.memory_space<vmem>>, vector<1x2000x16xf32>
    %get3A_8 = vector.shape_cast %get3A_7 : vector<1x2000x16xf32> to vector<2000x16xf32>
    %slice3A_9 = vector.extract_strided_slice %get3A_8 {offsets = [0, 0], sizes = [2000, 1], strides = [1, 1]} : vector<2000x16xf32> to vector<2000x1xf32>
    %add3A = arith.addf %slice3A, %slice3A_9 : vector<2000x1xf32>
    %add3A_10 = arith.constant 1.000000e+00 : f32
    %add3A_11 = vector.broadcast %add3A_10 : f32 to vector<2000x1xf32>
    %add3A_12 = arith.addf %add3A, %add3A_11 : vector<2000x1xf32>
    %rsqrt3A = math.rsqrt %add3A_12 : vector<2000x1xf32>
    %get3A_13 = arith.constant 0 : index
    %get3A_14 = arith.constant 0 : index
    %get3A_15 = arith.constant 0 : index
    %get3A_16 = vector.load %arg1[%get3A_13, %get3A_14, %get3A_15] : memref<2x2000x128xf32, #tpu.memory_space<vmem>>, vector<1x2000x128xf32>
    %get3A_17 = vector.shape_cast %get3A_16 : vector<1x2000x128xf32> to vector<2000x128xf32>
    %get3A_18 = arith.constant 1 : index
    %get3A_19 = arith.constant 0 : index
    %get3A_20 = arith.constant 0 : index
    %get3A_21 = vector.load %arg1[%get3A_18, %get3A_19, %get3A_20] : memref<2x2000x128xf32, #tpu.memory_space<vmem>>, vector<1x2000x128xf32>
    %get3A_22 = vector.shape_cast %get3A_21 : vector<1x2000x128xf32> to vector<2000x128xf32>
    %add3A_23 = arith.addf %get3A_17, %get3A_22 : vector<2000x128xf32>
    %get3A_24 = arith.constant 0 : index
    %get3A_25 = arith.constant 0 : index
    %get3A_26 = vector.load %arg2[%get3A_24, %get3A_25] : memref<2000x128xf32, #tpu.memory_space<vmem>>, vector<2000x128xf32>
    %add3A_27 = arith.addf %add3A_23, %get3A_26 : vector<2000x128xf32>
    %mul3A = vector.broadcast %rsqrt3A : vector<2000x1xf32> to vector<2000x128xf32>
    %mul3A_28 = arith.mulf %add3A_27, %mul3A : vector<2000x128xf32>
    %get3A_29 = arith.constant 0 : index
    %get3A_30 = arith.constant 0 : index
    %get3A_31 = vector.load %arg4[%get3A_29, %get3A_30] : memref<1x128xf32, #tpu.memory_space<vmem>>, vector<1x128xf32>
    %add3A_32 = vector.broadcast %get3A_31 : vector<1x128xf32> to vector<2000x128xf32>
    %add3A_33 = arith.addf %mul3A_28, %add3A_32 : vector<2000x128xf32>
    %max3A = arith.constant 0.000000e+00 : f32
    %max3A_34 = vector.broadcast %max3A : f32 to vector<2000x128xf32>
    %max3A_35 = arith.maximumf %add3A_33, %max3A_34 : vector<2000x128xf32>
    %get3A_36 = arith.constant 0 : index
    %get3A_37 = arith.constant 0 : index
    %get3A_38 = vector.load %arg5[%get3A_36, %get3A_37] : memref<128x128xf32, #tpu.memory_space<vmem>>, vector<128x128xf32>
    %dot_general3A = arith.constant dense<0.000000e+00> : vector<2000x128xf32>
    %dot_general3A_39 = tpu.matmul %max3A_35, %get3A_38, %dot_general3A {dimension_numbers = #tpu.dot_dimension_numbers<[1], [0], [0], [1], [0, 0, 1, 1], [], []>, transpose_lhs_hint = false} : vector<2000x128xf32>, vector<128x128xf32>, vector<2000x128xf32> -> vector<2000x128xf32>
    %mul3A_40 = vector.broadcast %rsqrt3A : vector<2000x1xf32> to vector<2000x128xf32>
    %mul3A_41 = arith.mulf %dot_general3A_39, %mul3A_40 : vector<2000x128xf32>
    %swap3A = arith.constant 0 : index
    %swap3A_42 = arith.constant 0 : index
    %swap3A_43 = vector.load %arg6[%swap3A, %swap3A_42] : memref<2000x128xf32, #tpu.memory_space<vmem>>, vector<2000x128xf32>
    tpu.vector_store %arg6[%swap3A, %swap3A_42], %mul3A_41 {strides = array<i32>} : memref<2000x128xf32, #tpu.memory_space<vmem>>, vector<2000x128xf32>,
    return
  }
  func.func @transform_0(%arg0: i32) -> (i32, i32, i32) {
    %c0_i32 = arith.constant 0 : i32
    %c0_i32_0 = arith.constant 0 : i32
    %c0_i32_1 = arith.constant 0 : i32
    return %c0_i32, %arg0, %c0_i32_0 : i32, i32, i32
  }
  func.func @transform_1(%arg0: i32) -> (i32, i32) {
    %c0_i32 = arith.constant 0 : i32
    %c0_i32_0 = arith.constant 0 : i32
    return %arg0, %c0_i32 : i32, i32
  }
  func.func @transform_2(%arg0: i32) -> (i32, i32, i32) {
    %c0_i32 = arith.constant 0 : i32
    %c0_i32_0 = arith.constant 0 : i32
    %c0_i32_1 = arith.constant 0 : i32
    return %c0_i32, %arg0, %c0_i32_0 : i32, i32, i32
  }
  func.func @transform_3(%arg0: i32) -> (i32, i32) {
    %c0_i32 = arith.constant 0 : i32
    %c0_i32_0 = arith.constant 0 : i32
    %c0_i32_1 = arith.constant 0 : i32
    return %c0_i32, %c0_i32_0 : i32, i32
  }
  func.func @transform_4(%arg0: i32) -> (i32, i32) {
    %c0_i32 = arith.constant 0 : i32
    %c0_i32_0 = arith.constant 0 : i32
    %c0_i32_1 = arith.constant 0 : i32
    return %c0_i32, %c0_i32_0 : i32, i32
  }
  func.func @transform_5(%arg0: i32) -> (i32, i32) {
    %c0_i32 = arith.constant 0 : i32
    %c0_i32_0 = arith.constant 0 : i32
    return %arg0, %c0_i32 : i32, i32
  }
}

module attributes {stable_mosaic.version = 14 : i64} {
  func.func @_tcc_body(%arg0: i32, %arg1: memref<2x2000x128xf32, #tpu.memory_space<vmem>>, %arg2: memref<2000x128xf32, #tpu.memory_space<vmem>>, %arg3: memref<2x2000x16xf32, #tpu.memory_space<vmem>>, %arg4: memref<1x128xf32, #tpu.memory_space<vmem>>, %arg5: memref<2000x128xf32, #tpu.memory_space<vmem>>) attributes {dimension_semantics = [#tpu.dimension_semantics<arbitrary>], iteration_bounds = array<i64: 5>, scalar_prefetch = 0 : i64, scratch_operands = 0 : i64, tpu.core_type = #tpu.core_type<tc>, window_params = [{transform_indices = @transform_0, window_bounds = array<i64: 2, 2000, 128>}, {transform_indices = @transform_1, window_bounds = array<i64: 2000, 128>}, {transform_indices = @transform_2, window_bounds = array<i64: 2, 2000, 16>}, {pipeline_mode = #tpu.pipeline_mode<synchronous>, transform_indices = @transform_3, window_bounds = array<i64: 1, 128>}, {transform_indices = @transform_4, window_bounds = array<i64: 2000, 128>}]} {
    %get3A = arith.constant 0 : index
    %get3A_0 = arith.constant 0 : index
    %get3A_1 = arith.constant 0 : index
    %get3A_2 = vector.load %arg3[%get3A, %get3A_0, %get3A_1] : memref<2x2000x16xf32, #tpu.memory_space<vmem>>, vector<1x2000x16xf32>
    %get3A_3 = vector.shape_cast %get3A_2 : vector<1x2000x16xf32> to vector<2000x16xf32>
    %slice3A = vector.extract_strided_slice %get3A_3 {offsets = [0, 0], sizes = [2000, 1], strides = [1, 1]} : vector<2000x16xf32> to vector<2000x1xf32>
    %get3A_4 = arith.constant 1 : index
    %get3A_5 = arith.constant 0 : index
    %get3A_6 = arith.constant 0 : index
    %get3A_7 = vector.load %arg3[%get3A_4, %get3A_5, %get3A_6] : memref<2x2000x16xf32, #tpu.memory_space<vmem>>, vector<1x2000x16xf32>
    %get3A_8 = vector.shape_cast %get3A_7 : vector<1x2000x16xf32> to vector<2000x16xf32>
    %slice3A_9 = vector.extract_strided_slice %get3A_8 {offsets = [0, 0], sizes = [2000, 1], strides = [1, 1]} : vector<2000x16xf32> to vector<2000x1xf32>
    %add3A = arith.addf %slice3A, %slice3A_9 : vector<2000x1xf32>
    %add3A_10 = arith.constant 1.000000e+00 : f32
    %add3A_11 = vector.broadcast %add3A_10 : f32 to vector<2000x1xf32>
    %add3A_12 = arith.addf %add3A, %add3A_11 : vector<2000x1xf32>
    %rsqrt3A = math.rsqrt %add3A_12 : vector<2000x1xf32>
    %get3A_13 = arith.constant 0 : index
    %get3A_14 = arith.constant 0 : index
    %get3A_15 = arith.constant 0 : index
    %get3A_16 = vector.load %arg1[%get3A_13, %get3A_14, %get3A_15] : memref<2x2000x128xf32, #tpu.memory_space<vmem>>, vector<1x2000x128xf32>
    %get3A_17 = vector.shape_cast %get3A_16 : vector<1x2000x128xf32> to vector<2000x128xf32>
    %get3A_18 = arith.constant 1 : index
    %get3A_19 = arith.constant 0 : index
    %get3A_20 = arith.constant 0 : index
    %get3A_21 = vector.load %arg1[%get3A_18, %get3A_19, %get3A_20] : memref<2x2000x128xf32, #tpu.memory_space<vmem>>, vector<1x2000x128xf32>
    %get3A_22 = vector.shape_cast %get3A_21 : vector<1x2000x128xf32> to vector<2000x128xf32>
    %add3A_23 = arith.addf %get3A_17, %get3A_22 : vector<2000x128xf32>
    %get3A_24 = arith.constant 0 : index
    %get3A_25 = arith.constant 0 : index
    %get3A_26 = vector.load %arg2[%get3A_24, %get3A_25] : memref<2000x128xf32, #tpu.memory_space<vmem>>, vector<2000x128xf32>
    %add3A_27 = arith.addf %add3A_23, %get3A_26 : vector<2000x128xf32>
    %mul3A = vector.broadcast %rsqrt3A : vector<2000x1xf32> to vector<2000x128xf32>
    %mul3A_28 = arith.mulf %add3A_27, %mul3A : vector<2000x128xf32>
    %get3A_29 = arith.constant 0 : index
    %get3A_30 = arith.constant 0 : index
    %get3A_31 = vector.load %arg4[%get3A_29, %get3A_30] : memref<1x128xf32, #tpu.memory_space<vmem>>, vector<1x128xf32>
    %add3A_32 = vector.broadcast %get3A_31 : vector<1x128xf32> to vector<2000x128xf32>
    %add3A_33 = arith.addf %mul3A_28, %add3A_32 : vector<2000x128xf32>
    %swap3A = arith.constant 0 : index
    %swap3A_34 = arith.constant 0 : index
    %swap3A_35 = vector.load %arg5[%swap3A, %swap3A_34] : memref<2000x128xf32, #tpu.memory_space<vmem>>, vector<2000x128xf32>
    tpu.vector_store %arg5[%swap3A, %swap3A_34], %add3A_33 {strides = array<i32>} : memref<2000x128xf32, #tpu.memory_space<vmem>>, vector<2000x128xf32>,
    return
  }
  func.func @transform_0(%arg0: i32) -> (i32, i32, i32) {
    %c0_i32 = arith.constant 0 : i32
    %c0_i32_0 = arith.constant 0 : i32
    %c0_i32_1 = arith.constant 0 : i32
    return %c0_i32, %arg0, %c0_i32_0 : i32, i32, i32
  }
  func.func @transform_1(%arg0: i32) -> (i32, i32) {
    %c0_i32 = arith.constant 0 : i32
    %c0_i32_0 = arith.constant 0 : i32
    return %arg0, %c0_i32 : i32, i32
  }
  func.func @transform_2(%arg0: i32) -> (i32, i32, i32) {
    %c0_i32 = arith.constant 0 : i32
    %c0_i32_0 = arith.constant 0 : i32
    %c0_i32_1 = arith.constant 0 : i32
    return %c0_i32, %arg0, %c0_i32_0 : i32, i32, i32
  }
  func.func @transform_3(%arg0: i32) -> (i32, i32) {
    %c0_i32 = arith.constant 0 : i32
    %c0_i32_0 = arith.constant 0 : i32
    %c0_i32_1 = arith.constant 0 : i32
    return %c0_i32, %c0_i32_0 : i32, i32
  }
  func.func @transform_4(%arg0: i32) -> (i32, i32) {
    %c0_i32 = arith.constant 0 : i32
    %c0_i32_0 = arith.constant 0 : i32
    return %arg0, %c0_i32 : i32, i32
  }
}

</mosaic_0001>

<sc_bundles>
// kernel: kernel.12.cloned.1.call-start
scs
__scs_entry_jumppad:
0x0: {  	(pc) =	sbr.rel $0x88, $3  }
0x1: {  	(tag) =	ssettag $0x0;
	lr =	simm.s32 $0x1  }
0x2: {  	[smem:$0x3F9B] =	sst lr;
	_ =	strace $0xD0000000  }
0x3: {  	_ = 	snop  }
0x4: {  	_ = 	snop  }
0x5: {  	_ = 	snop  }
0x6: {  	_ = 	snop  }
0x7: {  	_ = 	snop  }
__scs_overlays_trampoline_lowered:
0x8: {  	[smem:$0x3FAA] =	sst s0  }
0x9: {  	[smem:$0x3FAB] =	sst s1  }
0xa: {  	[smem:$0x3FAC] =	sst s2  }
0xb: {  	[smem:$0x3FAD] =	sst s3  }
0xc: {  	[smem:$0x3FAE] =	sst s4  }
0xd: {  	[smem:$0x3FAF] =	sst s5  }
0xe: {  	[smem:$0x3FB0] =	sst s6  }
0xf: {  	[smem:$0x3FB1] =	sst s7  }
0x10: {  	[smem:$0x3FB2] =	sst s8  }
0x11: {  	[smem:$0x3FB3] =	sst s9;
	s0 =	simm.s32 @!p0 $0x0  }
0x12: {  	s1 =	sld [smem:$0x3F99];
	s0 =	simm.s32 @p0 $0x1  }
0x13: {  	[smem:$0x3FB4] =	sst s0;
	s0 =	simm.s32 @!p1 $0x0  }
0x14: {  	s2 =	sld [smem:$0x3F98];
	s0 =	simm.s32 @p1 $0x1  }
0x15: {  	[smem:$0x3FB5] =	sst s0;
	s0 =	simm.s32 @!p2 $0x0  }
0x16: {  	s3 =	sld [smem:$0x3FDB];
	s0 =	simm.s32 @p2 $0x1  }
0x17: {  	s4 =	simm.s32 $0x1BF5;
	[smem:$0x3FB7] =	sst s0  }
0x18: {  	s0 =	sld [smem:$0x3F9A];
	_ =	swait.ge [sflag:s4], $0x0  }
0x19: {  	s7 =	sld [smem:$0x3F9B]  }
0x1a: {  	s8 =	sadd.s32 $0xFFFFE003, lr  }
0x1b: {  	s9 =	sadd.s32 $0xFFFFFEF7, lr;
	s5 =	simm.s32 $0xFFFFFFFF;
	p2 =	slt.u32 s8, $0xFFFFF086  }
0x1c: {  	p1 =	slt.u32 s9, $0xF7A;
	s5 =	simm.s32 @!p2 $0x0  }
0x1d: {  	s5 =	simm.s32 @p1 $0x1;
	p0 =	seq.s32 s7, s2  }
0x1e: {  	s7 =	smul.u32 @!p0 $0xF7A, s2;
	p2 =	seq.s32 @!p0 s5, $0x0  }
0x1f: {  	s9 =	smul.u32 $0xF7A, s1;
	s8 =	simm.s32 @!p0 $0x1BF5;
	p2 =	por !p2, p0  }
0x20: {  	[sflag:s8] =	ssyncset.s32 @!p0 $0xFFFFF086;
	s6 =	sadd.s32 @!p0 s3, s7;
	s7 =	simm.s32 @!p0 $0x108  }
0x21: {  	s3 =	sadd.s32 s3, s9;
	s6 =	sadd.s32 @!p0 $0x88, s6;
	s7 =	simm.s32 @p2 $0x1082  }
0x22: {  	[simem:s7], [sflag:s8] =	dma.local @!p0 [hbm:s6], $0xF7A  }
0x23: {  	s9 =	sor.u32 $0xD0000000, s2;
	s6 =	simm.s32 $0x108;
	_ =	swait.ge @!p0 [sflag:s8], $0x0  }
0x24: {  	s3 =	sadd.s32 $0x88, s3;
	s6 =	simm.s32 @!p1 $0x1082;
	[sflag:s4] =	ssyncset.s32 $0xFFFFF086  }
0x25: {  	[simem:s6], [sflag:s4] =	dma.local [hbm:s3], $0xF7A  }
0x26: {  	[smem:$0x3F9B] =	sst s1;
	(tag) =	ssettag s2;
	_ =	strace s9  }
0x27: {  	s1 =	sld [smem:$0x3FAB]  }
0x28: {  	s2 =	sld [smem:$0x3FAC]  }
0x29: {  	s4 =	sld [smem:$0x3FAE]  }
0x2a: {  	p0 =	seq.s32 s5, $0x0;
	s5 =	sld [smem:$0x3FAF]  }
0x2b: {  	s6 =	sld [smem:$0x3FB0]  }
0x2c: {  	s7 =	sld [smem:$0x3FB1]  }
0x2d: {  	s3 =	simm.s32 $0x108;
	s8 =	sld [smem:$0x3FB2]  }
0x2e: {  	s3 =	simm.s32 @!p0 $0x1082;
	s9 =	sld [smem:$0x3FB3]  }
0x2f: {  	lr =	sadd.s32 s0, s3;
	s0 =	sld [smem:$0x3FAA]  }
0x30: {  	s3 =	sld [smem:$0x3FAD]  }
0x31: {  	[smem:$0x3FB6] =	sst s10  }
0x32: {  	s10 =	sld [smem:$0x3FB4];
	_ =	sdelay $0x3  }
0x33: {  	p0 =	seq.s32 s10, $0x1;
	s10 =	sld [smem:$0x3FB6];
	_ =	sdelay $0x3  }
0x34: {  	[smem:$0x3FB6] =	sst s10  }
0x35: {  	s10 =	sld [smem:$0x3FB5];
	_ =	sdelay $0x3  }
0x36: {  	p1 =	seq.s32 s10, $0x1;
	s10 =	sld [smem:$0x3FB6];
	_ =	sdelay $0x3  }
0x37: {  	[smem:$0x3FB6] =	sst s10  }
0x38: {  	s10 =	sld [smem:$0x3FB7]  }
0x39: {  	_ = 	snop;
	(pc) =	sbr.ind lr, $3  }
0x3a: {  	_ = 	snop  }
0x3b: {  	_ = 	snop  }
0x3c: {  	p2 =	seq.s32 s10, $0x1;
	s10 =	sld [smem:$0x3FB6]  }
0x3d: {  	_ =	shalt  }
0x3e: {  	_ =	shalt  }
0x3f: {  	_ =	shalt  }
0x40: {  	_ =	shalt  }
0x41: {  	_ =	shalt  }
0x42: {  	_ =	shalt  }
0x43: {  	_ =	shalt  }
0x44: {  	_ =	shalt  }
0x45: {  	_ =	shalt  }
0x46: {  	_ =	shalt  }
0x47: {  	_ =	shalt  }
0x48: {  	_ =	shalt  }
0x49: {  	_ =	shalt  }
0x4a: {  	_ =	shalt  }
0x4b: {  	_ =	shalt  }
0x4c: {  	_ =	shalt  }
0x4d: {  	_ =	shalt  }
0x4e: {  	_ =	shalt  }
0x4f: {  	_ =	shalt  }
0x50: {  	_ =	shalt  }
0x51: {  	_ =	shalt  }
0x52: {  	_ =	shalt  }
0x53: {  	_ =	shalt  }
0x54: {  	_ =	shalt  }
0x55: {  	_ =	shalt  }
0x56: {  	_ =	shalt  }
0x57: {  	_ =	shalt  }
0x58: {  	_ =	shalt  }
0x59: {  	_ =	shalt  }
0x5a: {  	_ =	shalt  }
0x5b: {  	_ =	shalt  }
0x5c: {  	_ =	shalt  }
0x5d: {  	_ =	shalt  }
0x5e: {  	_ =	shalt  }
0x5f: {  	_ =	shalt  }
0x60: {  	_ =	shalt  }
0x61: {  	_ =	shalt  }
0x62: {  	_ =	shalt  }
0x63: {  	_ =	shalt  }
0x64: {  	_ =	shalt  }
0x65: {  	_ =	shalt  }
0x66: {  	_ =	shalt  }
0x67: {  	_ =	shalt  }
0x68: {  	_ =	shalt  }
0x69: {  	_ =	shalt  }
0x6a: {  	_ =	shalt  }
0x6b: {  	_ =	shalt  }
0x6c: {  	_ =	shalt  }
0x6d: {  	_ =	shalt  }
0x6e: {  	_ =	shalt  }
0x6f: {  	_ =	shalt  }
0x70: {  	_ =	shalt  }
0x71: {  	_ =	shalt  }
0x72: {  	_ =	shalt  }
0x73: {  	_ =	shalt  }
0x74: {  	_ =	shalt  }
0x75: {  	_ =	shalt  }
0x76: {  	_ =	shalt  }
0x77: {  	_ =	shalt  }
0x78: {  	_ =	shalt  }
0x79: {  	_ =	shalt  }
0x7a: {  	_ =	shalt  }
0x7b: {  	_ =	shalt  }
0x7c: {  	_ =	shalt  }
0x7d: {  	_ =	shalt  }
0x7e: {  	_ =	shalt  }
0x7f: {  	_ =	shalt  }
0x80: {  	_ =	shalt  }
0x81: {  	_ =	shalt  }
0x82: {  	_ =	shalt  }
0x83: {  	_ =	shalt  }
0x84: {  	_ =	shalt  }
0x85: {  	_ =	shalt  }
0x86: {  	_ =	shalt  }
0x87: {  	_ =	shalt  }
.Lfunc_end0:
.L_simem_size_0:
called_computation.1_lowered:
.L_overlay_start_0:
0x88: {  	s2 =	sld [smem:$0x3FD9]  }
0x89: {  	s3 =	sld [smem:$0x3FFE];
	_ =	sdelay $0x1  }
0x8a: {  	s1 =	srdreg.scid  }
0x8b: {  	s0 =	sand.u32 $0x1, s1  }
0x8c: {  	s17 =	sshll.u32 s0, $0xA;
	s2 =	sadd.s32 s3, s2  }
0x8d: {  	s2 =	sadd.s32 s2, s17  }
0x8e: {  	[smem:$0x3FC2] =	sst s2  }
0x8f: {  	_ = 	snop  }
0x90: {  	s2 =	sld [smem:$0x3FD0];
	(tm) =	ssettm $0x1  }
0x91: {  	s18 =	sld [smem:$0x3FFB];
	_ =	sdelay $0x3  }
0x92: {  	_ =	strace s18  }
0x93: {  	s3 =	sld [smem:$0x3FFC];
	_ =	sdelay $0x3  }
0x94: {  	_ =	strace s3  }
0x95: {  	s3 =	sld [smem:$0x3FFD];
	_ =	sdelay $0x3  }
0x96: {  	_ =	strace s3  }
0x97: {  	_ =	strace $0x8FFFFFFF  }
0x98: {  	s19 =	sld [smem:$0x3FDB];
	_ =	sdelay $0x1  }
0x99: {  	s4 =	simm.s32 $_scs_section_size  }
0x9a: {  	s5 =	simm.s32 $_size__tile_overlayer_lowered;
	s6 =	simm.s32 $_tile_overlayer_lowered  }
0x9b: {  	s22 =	simm.s32 $0x1BFF;
	s21 =	sshll.u32 s6, $0x1;
	s3 =	sadd.s32 s4, s19  }
0x9c: {  	s7 =	simm.s32 $0x0;
	s20 =	sshll.u32 s5, $0x1;
	s5 =	sadd.s32 s21, s3  }
0x9d: {  	[timem:s7], [sflag:s22] =	dma.local [hbm:s5], s20  }
0x9e: {  	_ =	swait.ge [sflag:s22], s20  }
0x9f: {  	s4 =	ssub.s32 $0x0, s20;
	[sflag:s22] =	ssyncset.done $0x0  }
0xa0: {  	[sflag:s22] =	ssyncadd.s32 s4;
	_ =	sdelay $0x1  }
0xa1: {  	s23 =	simm.s32 $0x1B8B  }
0xa2: {  	_ =	swait.ge [sflag:s23], $0x1  }
0xa3: {  	[sflag:s23] =	ssyncset.done $0x0  }
0xa4: {  	s25 =	simm.s32 $0x1B8E;
	s24 =	sld [smem:$0x3FFE];
	[sflag:s23] =	ssyncadd.s32 $0xFFFFFFFF  }
0xa5: {  	s26 =	simm.s32 $execute0_lowered;
	[smem:$0x3FD2] =	sst s25  }
0xa6: {  	s5 =	sshll.u32 s26, $0x1;
	_ =	strace $0x80000049;
	[dreg:$0x1] =	wrdreg $0xFFFFFFFF  }
0xa7: {  	s28 =	simm.s32 $_size_execute0_lowered;
	s3 =	sadd.s32 s3, s5;
	[dreg:$0x0] =	wrdreg $0x0  }
0xa8: {  	s5 =	sshll.u32 s28, $0x1;
	[dreg:$0x2] =	wrdreg s3  }
0xa9: {  	[dreg:$0x3] =	wrdreg s5  }
0xaa: {  	[dreg:$0x4] =	wrdreg $0xC0  }
0xab: {  	_ =	task [dreg:s7], $0x5FFFF  }
0xac: {  	[dreg:$0x1] =	wrdreg $0xFFFFFFFF  }
0xad: {  	[dreg:$0x0] =	wrdreg $0x60  }
0xae: {  	[dreg:$0x2] =	wrdreg s2  }
0xaf: {  	[dreg:$0x3] =	wrdreg s24  }
0xb0: {  	[dreg:$0x4] =	wrdreg $0x0  }
0xb1: {  	[dreg:$0x5] =	wrdreg $0x9  }
0xb2: {  	_ =	task.clear_ibuf [dreg:s7], $0x6FFFF;
	_ =	strace $0x90000049  }
0xb3: {  	s29 =	simm.s32 $0x9;
	_ =	strace $0x8000004B  }
0xb4: {  	_ =	swait.ge [sflag:s29], $0x1  }
0xb5: {  	[sflag:s29] =	ssyncadd.s32 $0xFFFFFFFF  }
0xb6: {  	_ =	strace $0x9000004B  }
0xb7: {  	_ =	sfence  }
0xb8: {  	s30 =	sld [smem:$0x0];
	_ =	sdelay $0x2  }
0xb9: {  	s31 =	sshll.u32 s1, $0xD;
	s1 =	sshrl.u32 s1, $0x2  }
0xba: {  	s3 =	sand.u32 $0x4000, s31;
	s1 =	sadd.s32 s1, s30  }
0xbb: {  	s0 =	sor.u32 s3, s0;
	s1 =	sshll.u32 s1, $0x11  }
0xbc: {  	s0 =	sor.u32 s1, s0  }
0xbd: {  	s0 =	sadd.s32 $0x8F2B, s0  }
0xbe: {  	[sflag:s0] =	ssyncadd.remote.s32 $0x1  }
0xbf: {  	_ =	sfence.sel $0xFFFF  }
0xc0: {  	[dreg:$0x0] =	wrdreg $0xFFFFFFFF;
	(pc) =	sbr.abs _section_cstart, $3  }
0xc1: {  	[dreg:$0x1] =	wrdreg $0xFFFFFFFF  }
0xc2: {  	_ =	task.clear_ibuf [dreg:s7], $0x2FFFF;
	_ =	strace $0x9FFFFFFF  }
0xc3: {  	(tm) =	ssettm $0x7FFFFFFF  }
tec
execute0_lowered:
.L_overlay_start_1:
0x0: {  	(tag) =	ssettag $0x1  }
0x1: {  	s1 =	rddreg [dreg:$0x0]  }
0x2: {  	s6 =	rddreg [dreg:$0x1]  }
0x3: {  	s0 =	srdreg.scid;
	s3 =	rddreg [dreg:$0x2];
	s4 =	simm.s32 $0x0  }
0x4: {  	s17 =	simm.s32 $0x13C00;
	s18 =	simm.s32 $0x16380;
	s19 =	simm.s32 $0x1A380  }
0x5: {  	s20 =	simm.s32 $0x3;
	s21 =	simm.s32 $0x1;
	s22 =	simm.s32 $0x2  }
0x6: {  	s23 =	simm.s32 $0x50;
	s24 =	simm.s32 $0x1CB80;
	s25 =	simm.s32 $0x4  }
0x7: {  	s28 =	simm.s32 $0x0;
	s5 =	sand.u32 $0x1, s0;
	s0 =	stileid.u32  }
0x8: {  	[smem:$0x7FF] =	sst s4;
	s2 =	sshll.u32 s5, $0x4;
	s8 =	smul.u32 $0x13C000, s5  }
0x9: {  	s9 =	smul.u32 $0x13C00, s0;
	_ =	strace $0x8000004A;
	s10 =	sshll.u32 s0, $0xB  }
0xa: {  	s29 =	ssub.s32 $0x2, s5;
	s5 =	sshll.u32 s5, $0xF;
	s12 =	smul.u32 $0x4F000, s0  }
0xb: {  	s2 =	sor.u32 s0, s2;
	s26 =	sadd.s32 s10, s6;
	s11 =	sshrl.u32 s29, $0x1  }
0xc: {  	s7 =	smul.u32 $0x4E2, s2;
	s8 =	sadd.s32 s9, s8;
	s10 =	ssub.s32 s29, s11  }
0xd: {  	s30 =	sadd.s32 s5, s26;
	s31 =	sshrl.u32 s12, $0x2;
	s8 =	sshrl.u32 s8, $0x3  }
0xe: {  	s26 =	simm.s32 $0x1A180;
	s7 =	sadd.s32 s7, s6;
	s8 =	sadd.s32 s8, s6  }
0xf: {  	s5 =	sadd.s32 $0x2800, s7;
	s7 =	sadd.s32 $0x6B600, s8;
	s8 =	sadd.s32 s31, s3  }
0x10: {  	s9 =	smax.u32 s10, $0x1;
	s6 =	sadd.s32 $0xC600, s30;
	s10 =	sadd.s32 $0x2780, s8  }
0x11: {  	s11 =	sadd.s32 $0x4F00, s8;
	s12 =	sadd.s32 $0x7680, s8;
	s13 =	sadd.s32 $0x9E00, s8  }
0x12: {  	v0 =	vimm.f32 $0.0e+00;
	s14 =	sadd.s32 $0xC580, s8;
	s15 =	sadd.s32 $0xED00, s8;
	s16 =	sadd.s32 $0x11480, s8  }
.LBB2_1:
0x13: {  	[tilespmem:s17], [sflag:$0x1] =	stream.linear.gather [hbm4b:s5+s4], $0x2710, $0x38;
	[tilespmem:$0x1F380] =	vst v63  }
0x14: {  	s29 =	sand.u32 $0xFE00, s4  }
0x15: {  	s30 =	sand.u32 $0x70, s4;
	s31 =	sshrl.u32 s29, $0x2  }
0x16: {  	[tilespmem:s18], [sflag:$0x2] =	stream.linear.gather [hbm4b:s6+s4], $0x3E80, $0x38;
	[tilespmem:$0x1F380] =	vst v63  }
0x17: {  	s29 =	simm.s32 $0x40;
	s31 =	sor.u32 s30, s31;
	s30 =	simm.s32 $0x0  }
.LBB2_2:
0x18: {  	p0 =	sne.s32 s29, $0x9FC0  }
0x19: {  	[tilespmem:s31+$0x1A380] =	vst v0;
	s30 =	sadd.s32 $0x10, s30;
	s31 =	smov.u32 s29;
	s29 =	sadd.s32 $0x40, s29  }
.Ltmp0:
0x1a: {  	(pc) =	sbr.rel @p0 .LBB2_2-.Ltmp0, $4  }
0x1b: {  	_ = 	snop  }
0x1c: {  	s31 =	sand.u32 $0xFE00, s31  }
0x1d: {  	s2 =	sand.u32 $0x70, s30;
	s31 =	sshrl.u32 s31, $0x2  }
0x1e: {  	s31 =	sor.u32 s2, s31  }
0x1f: {  	[tilespmem:s31+$0x1A380] =	vst v0  }
0x20: {  	[spmem:s8] =	stream.linear.scatter [tilespmem:s19], [sflag:$0x3], $0x2780, $0x38;
	[tilespmem:$0x1F380] =	vst v63  }
0x21: {  	_ =	swait.ge [sflag:s20], $0x2780  }
0x22: {  	[sflag:s20] =	ssyncset.done $0x0  }
0x23: {  	[sflag:s20] =	ssyncadd.s32 $0xFFFFD880  }
0x24: {  	[spmem:s10] =	stream.linear.scatter [tilespmem:s19], [sflag:$0x3], $0x2780, $0x38;
	[tilespmem:$0x1F380] =	vst v63  }
0x25: {  	_ =	swait.ge [sflag:s20], $0x2780  }
0x26: {  	[sflag:s20] =	ssyncset.done $0x0  }
0x27: {  	[sflag:s20] =	ssyncadd.s32 $0xFFFFD880  }
0x28: {  	[spmem:s11] =	stream.linear.scatter [tilespmem:s19], [sflag:$0x3], $0x2780, $0x38;
	[tilespmem:$0x1F380] =	vst v63  }
0x29: {  	_ =	swait.ge [sflag:s20], $0x2780  }
0x2a: {  	[sflag:s20] =	ssyncset.done $0x0  }
0x2b: {  	[sflag:s20] =	ssyncadd.s32 $0xFFFFD880  }
0x2c: {  	[spmem:s12] =	stream.linear.scatter [tilespmem:s19], [sflag:$0x3], $0x2780, $0x38;
	[tilespmem:$0x1F380] =	vst v63  }
0x2d: {  	_ =	swait.ge [sflag:s20], $0x2780  }
0x2e: {  	[sflag:s20] =	ssyncset.done $0x0  }
0x2f: {  	[sflag:s20] =	ssyncadd.s32 $0xFFFFD880  }
0x30: {  	[spmem:s13] =	stream.linear.scatter [tilespmem:s19], [sflag:$0x3], $0x2780, $0x38;
	[tilespmem:$0x1F380] =	vst v63  }
0x31: {  	_ =	swait.ge [sflag:s20], $0x2780  }
0x32: {  	[sflag:s20] =	ssyncset.done $0x0  }
0x33: {  	[sflag:s20] =	ssyncadd.s32 $0xFFFFD880  }
0x34: {  	[spmem:s14] =	stream.linear.scatter [tilespmem:s19], [sflag:$0x3], $0x2780, $0x38;
	[tilespmem:$0x1F380] =	vst v63  }
0x35: {  	_ =	swait.ge [sflag:s20], $0x2780  }
0x36: {  	[sflag:s20] =	ssyncset.done $0x0  }
0x37: {  	[sflag:s20] =	ssyncadd.s32 $0xFFFFD880  }
0x38: {  	[spmem:s15] =	stream.linear.scatter [tilespmem:s19], [sflag:$0x3], $0x2780, $0x38;
	[tilespmem:$0x1F380] =	vst v63  }
0x39: {  	_ =	swait.ge [sflag:s20], $0x2780  }
0x3a: {  	[sflag:s20] =	ssyncset.done $0x0  }
0x3b: {  	[sflag:s20] =	ssyncadd.s32 $0xFFFFD880  }
0x3c: {  	[spmem:s16] =	stream.linear.scatter [tilespmem:s19], [sflag:$0x3], $0x2780, $0x38;
	[tilespmem:$0x1F380] =	vst v63  }
0x3d: {  	_ =	swait.ge [sflag:s20], $0x2780  }
0x3e: {  	[sflag:s20] =	ssyncset.done $0x0  }
0x3f: {  	[sflag:s20] =	ssyncadd.s32 $0xFFFFD880  }
0x40: {  	_ =	swait.ge [sflag:s21], $0x2710  }
0x41: {  	[sflag:s21] =	ssyncset.done $0x0  }
0x42: {  	[sflag:s21] =	ssyncadd.s32 $0xFFFFD8F0  }
0x43: {  	_ =	swait.ge [sflag:s22], $0x3E80  }
0x44: {  	[sflag:s22] =	ssyncset.done $0x0  }
0x45: {  	[sflag:s22] =	ssyncadd.s32 $0xFFFFC180  }
0x46: {  	[bflag:$0x0] =	sbarrier.arrive $0xFFFF  }
0x47: {  	[tilespmem:s19], [sflag:$0x1] =	stream.indirect.gather [hbm4b:s1+s23], $0x80, s17, s23, $0xb8;
	[tilespmem:$0x1F380] =	vst v63  }
0x48: {  	s29 =	simm.s32 $0x13C50  }
0x49: {  	[tilespmem:s24], [sflag:$0x2] =	stream.indirect.gather [hbm4b:s1+s23], $0x80, s29, s23, $0xb8;
	[tilespmem:$0x1F380] =	vst v63  }
0x4a: {  	_ =	swait.ge [sflag:s21], $0x2800  }
0x4b: {  	[sflag:s21] =	ssyncset.done $0x0  }
0x4c: {  	s2 =	simm.s32 $0x16380;
	[sflag:s21] =	ssyncadd.s32 $0xFFFFD800  }
0x4d: {  	[spmem:s3] =	stream.indirect.scatter.add.f32 [tilespmem:s19], [sflag:$0x4], $0x80, s2, s23, $0xb8;
	[tilespmem:$0x1F380] =	vst v63  }
0x4e: {  	_ =	swait.ge [sflag:s25], $0x2800  }
0x4f: {  	[sflag:s25] =	ssyncset.done $0x0  }
0x50: {  	s31 =	simm.s32 $0x13CA0;
	[sflag:s25] =	ssyncadd.s32 $0xFFFFD800  }
0x51: {  	[tilespmem:s19], [sflag:$0x1] =	stream.indirect.gather [hbm4b:s1+s23], $0x80, s31, s23, $0xb8;
	[tilespmem:$0x1F380] =	vst v63  }
0x52: {  	_ =	swait.ge [sflag:s22], $0x2800  }
0x53: {  	[sflag:s22] =	ssyncset.done $0x0  }
0x54: {  	s31 =	simm.s32 $0x16400;
	[sflag:s22] =	ssyncadd.s32 $0xFFFFD800  }
0x55: {  	[spmem:s3] =	stream.indirect.scatter.add.f32 [tilespmem:s24], [sflag:$0x3], $0x80, s31, s23, $0xb8;
	[tilespmem:$0x1F380] =	vst v63  }
0x56: {  	_ =	swait.ge [sflag:s20], $0x2800  }
0x57: {  	s30 =	simm.s32 $0x400;
	[sflag:s20] =	ssyncset.done $0x0  }
.LBB2_4:
0x58: {  	p0 =	sne.s32 s30, $0xF400;
	[sflag:s20] =	ssyncadd.s32 $0xFFFFD800;
	s29 =	sadd.s32 $0xA0, s29  }
0x59: {  	[tilespmem:s24], [sflag:$0x2] =	stream.indirect.gather [hbm4b:s1+s23], $0x80, s29, s23, $0xb8;
	[tilespmem:$0x1F380] =	vst v63  }
0x5a: {  	s2 =	smov.u32 s30;
	s30 =	sadd.s32 $0x400, s30;
	_ =	swait.ge [sflag:s21], $0x2800  }
0x5b: {  	s2 =	sshra.s32 s2, $0x2;
	[sflag:s21] =	ssyncset.done $0x0  }
0x5c: {  	s31 =	sadd.s32 $0x16380, s2;
	[sflag:s21] =	ssyncadd.s32 $0xFFFFD800  }
0x5d: {  	[spmem:s3] =	stream.indirect.scatter.add.f32 [tilespmem:s19], [sflag:$0x4], $0x80, s31, s23, $0xb8;
	[tilespmem:$0x1F380] =	vst v63  }
0x5e: {  	_ =	swait.ge [sflag:s25], $0x2800  }
0x5f: {  	[sflag:s25] =	ssyncset.done $0x0  }
0x60: {  	s31 =	sadd.s32 $0x50, s29;
	[sflag:s25] =	ssyncadd.s32 $0xFFFFD800  }
0x61: {  	[tilespmem:s19], [sflag:$0x1] =	stream.indirect.gather [hbm4b:s1+s23], $0x80, s31, s23, $0xb8;
	[tilespmem:$0x1F380] =	vst v63  }
0x62: {  	_ =	swait.ge [sflag:s22], $0x2800  }
.Ltmp1:
0x63: {  	[sflag:s22] =	ssyncset.done $0x0;
	(pc) =	sbr.rel @p0 .LBB2_4-.Ltmp1, $4  }
0x64: {  	s2 =	sadd.s32 $0x16400, s2;
	[sflag:s22] =	ssyncadd.s32 $0xFFFFD800  }
0x65: {  	[spmem:s3] =	stream.indirect.scatter.add.f32 [tilespmem:s24], [sflag:$0x3], $0x80, s2, s23, $0xb8;
	[tilespmem:$0x1F380] =	vst v63  }
0x66: {  	_ =	swait.ge [sflag:s20], $0x2800  }
0x67: {  	[sflag:s20] =	ssyncset.done $0x0  }
0x68: {  	[sflag:s20] =	ssyncadd.s32 $0xFFFFD800  }
0x69: {  	_ =	swait.ge [sflag:s21], $0x2800  }
0x6a: {  	[sflag:s21] =	ssyncset.done $0x0  }
0x6b: {  	[sflag:s21] =	ssyncadd.s32 $0xFFFFD800  }
0x6c: {  	[spmem:s3] =	stream.indirect.scatter.add.f32 [tilespmem:s19], [sflag:$0x4], $0x80, s26, s23, $0xb8;
	[tilespmem:$0x1F380] =	vst v63  }
0x6d: {  	_ =	swait.ge [sflag:s25], $0x2800  }
0x6e: {  	s2 =	sshll.u32 s0, $0x6;
	s28 =	sadd.s32 $0x1, s28;
	[sflag:s25] =	ssyncset.done $0x0  }
0x6f: {  	s29 =	sshrl.u32 s8, $0x3;
	p0 =	sne.s32 s28, s9;
	[sflag:s25] =	ssyncadd.s32 $0xFFFFD800  }
.Ltmp2:
0x70: {  	s2 =	sor.u32 $0x1C03, s2;
	[bflag:$0x0] =	sbarrier.arrive $0xFFFF;
	(pc) =	sbr.rel @p0 .LBB2_1-.Ltmp2, $4  }
0x71: {  	[hbm:s7], [sflag:s2] =	dma.local [spmem:s29], $0x2780  }
0x72: {  	_ =	swait.ge [sflag:s20], $0x2780  }
0x73: {  	[sflag:s20] =	ssyncset.done $0x0  }
0x74: {  	[sflag:s20] =	ssyncadd.s32 $0xFFFFD880  }
0x75: {  	_ =	sfence.sel $0x180000  }
0x76: {  	[bflag:$0x0] =	sbarrier.arrive $0xFFFF  }
0x77: {  	_ =	strace $0x9000004A  }
0x78: {  	[bflag:$0x2] =	sbarrier.arrive $0xFFFF  }
0x79: {  	p0 =	sne.s32 s0, $0x0;
	s0 =	rddreg [dreg:$0x3]  }
0x7a: {  	s0 =	sadd.s32 @!p0 $0x100000, s0  }
0x7b: {  	[sflag:s0] =	ssyncadd.tile.s32 @!p0 $0x1;
	_ =	shalt  }
.Lfunc_end2:
_tile_overlayer_lowered:
.L_overlay_start_2:
0x7c: {  	(tag) =	ssettag $0x2  }
0x7d: {  	s0 =	rddreg [dreg:$0x0];
	s2 =	stileid.u32  }
0x7e: {  	s1 =	rddreg [dreg:$0x1];
	p0 =	sne.s32 s2, $0x0  }
0x7f: {  	s3 =	rddreg [dreg:$0x2];
	[bflag:$0x3] =	sbarrier.arrive $0xFFFF;
	s2 =	simm.s32 @!p0 $0x1C03  }
0x80: {  	[timem:s3], [sflag:s2] =	dma.local @!p0 [hbm:s0], s1  }
0x81: {  	s0 =	simm.s32 @!p0 $0x3  }
0x82: {  	_ =	swait.ge @!p0 [sflag:s0], s1  }
0x83: {  	s1 =	ssub.s32 @!p0 $0x0, s1;
	[sflag:s0] =	ssyncset.done @!p0 $0x0  }
0x84: {  	[sflag:s0] =	ssyncadd.s32 @!p0 s1  }
0x85: {  	[bflag:$0x3] =	sbarrier.arrive $0xFFFF  }
0x86: {  	_ =	shalt  }

// kernel: kernel.15.cloned.1.call-start
scs
__scs_entry_jumppad:
0x0: {  	(pc) =	sbr.rel $0x88, $3  }
0x1: {  	(tag) =	ssettag $0x0;
	lr =	simm.s32 $0x1  }
0x2: {  	[smem:$0x3F9B] =	sst lr;
	_ =	strace $0xD0000000  }
0x3: {  	_ = 	snop  }
0x4: {  	_ = 	snop  }
0x5: {  	_ = 	snop  }
0x6: {  	_ = 	snop  }
0x7: {  	_ = 	snop  }
__scs_overlays_trampoline_lowered:
0x8: {  	[smem:$0x3FAA] =	sst s0  }
0x9: {  	[smem:$0x3FAB] =	sst s1  }
0xa: {  	[smem:$0x3FAC] =	sst s2  }
0xb: {  	[smem:$0x3FAD] =	sst s3  }
0xc: {  	[smem:$0x3FAE] =	sst s4  }
0xd: {  	[smem:$0x3FAF] =	sst s5  }
0xe: {  	[smem:$0x3FB0] =	sst s6  }
0xf: {  	[smem:$0x3FB1] =	sst s7  }
0x10: {  	[smem:$0x3FB2] =	sst s8  }
0x11: {  	[smem:$0x3FB3] =	sst s9;
	s0 =	simm.s32 @!p0 $0x0  }
0x12: {  	s1 =	sld [smem:$0x3F99];
	s0 =	simm.s32 @p0 $0x1  }
0x13: {  	[smem:$0x3FB4] =	sst s0;
	s0 =	simm.s32 @!p1 $0x0  }
0x14: {  	s2 =	sld [smem:$0x3F98];
	s0 =	simm.s32 @p1 $0x1  }
0x15: {  	[smem:$0x3FB5] =	sst s0;
	s0 =	simm.s32 @!p2 $0x0  }
0x16: {  	s3 =	sld [smem:$0x3FDB];
	s0 =	simm.s32 @p2 $0x1  }
0x17: {  	s4 =	simm.s32 $0x1BF5;
	[smem:$0x3FB7] =	sst s0  }
0x18: {  	s0 =	sld [smem:$0x3F9A];
	_ =	swait.ge [sflag:s4], $0x0  }
0x19: {  	s7 =	sld [smem:$0x3F9B]  }
0x1a: {  	s8 =	sadd.s32 $0xFFFFE003, lr  }
0x1b: {  	s9 =	sadd.s32 $0xFFFFFEF7, lr;
	s5 =	simm.s32 $0xFFFFFFFF;
	p2 =	slt.u32 s8, $0xFFFFF086  }
0x1c: {  	p1 =	slt.u32 s9, $0xF7A;
	s5 =	simm.s32 @!p2 $0x0  }
0x1d: {  	s5 =	simm.s32 @p1 $0x1;
	p0 =	seq.s32 s7, s2  }
0x1e: {  	s7 =	smul.u32 @!p0 $0xF7A, s2;
	p2 =	seq.s32 @!p0 s5, $0x0  }
0x1f: {  	s9 =	smul.u32 $0xF7A, s1;
	s8 =	simm.s32 @!p0 $0x1BF5;
	p2 =	por !p2, p0  }
0x20: {  	[sflag:s8] =	ssyncset.s32 @!p0 $0xFFFFF086;
	s6 =	sadd.s32 @!p0 s3, s7;
	s7 =	simm.s32 @!p0 $0x108  }
0x21: {  	s3 =	sadd.s32 s3, s9;
	s6 =	sadd.s32 @!p0 $0x88, s6;
	s7 =	simm.s32 @p2 $0x1082  }
0x22: {  	[simem:s7], [sflag:s8] =	dma.local @!p0 [hbm:s6], $0xF7A  }
0x23: {  	s9 =	sor.u32 $0xD0000000, s2;
	s6 =	simm.s32 $0x108;
	_ =	swait.ge @!p0 [sflag:s8], $0x0  }
0x24: {  	s3 =	sadd.s32 $0x88, s3;
	s6 =	simm.s32 @!p1 $0x1082;
	[sflag:s4] =	ssyncset.s32 $0xFFFFF086  }
0x25: {  	[simem:s6], [sflag:s4] =	dma.local [hbm:s3], $0xF7A  }
0x26: {  	[smem:$0x3F9B] =	sst s1;
	(tag) =	ssettag s2;
	_ =	strace s9  }
0x27: {  	s1 =	sld [smem:$0x3FAB]  }
0x28: {  	s2 =	sld [smem:$0x3FAC]  }
0x29: {  	s4 =	sld [smem:$0x3FAE]  }
0x2a: {  	p0 =	seq.s32 s5, $0x0;
	s5 =	sld [smem:$0x3FAF]  }
0x2b: {  	s6 =	sld [smem:$0x3FB0]  }
0x2c: {  	s7 =	sld [smem:$0x3FB1]  }
0x2d: {  	s3 =	simm.s32 $0x108;
	s8 =	sld [smem:$0x3FB2]  }
0x2e: {  	s3 =	simm.s32 @!p0 $0x1082;
	s9 =	sld [smem:$0x3FB3]  }
0x2f: {  	lr =	sadd.s32 s0, s3;
	s0 =	sld [smem:$0x3FAA]  }
0x30: {  	s3 =	sld [smem:$0x3FAD]  }
0x31: {  	[smem:$0x3FB6] =	sst s10  }
0x32: {  	s10 =	sld [smem:$0x3FB4];
	_ =	sdelay $0x3  }
0x33: {  	p0 =	seq.s32 s10, $0x1;
	s10 =	sld [smem:$0x3FB6];
	_ =	sdelay $0x3  }
0x34: {  	[smem:$0x3FB6] =	sst s10  }
0x35: {  	s10 =	sld [smem:$0x3FB5];
	_ =	sdelay $0x3  }
0x36: {  	p1 =	seq.s32 s10, $0x1;
	s10 =	sld [smem:$0x3FB6];
	_ =	sdelay $0x3  }
0x37: {  	[smem:$0x3FB6] =	sst s10  }
0x38: {  	s10 =	sld [smem:$0x3FB7]  }
0x39: {  	_ = 	snop;
	(pc) =	sbr.ind lr, $3  }
0x3a: {  	_ = 	snop  }
0x3b: {  	_ = 	snop  }
0x3c: {  	p2 =	seq.s32 s10, $0x1;
	s10 =	sld [smem:$0x3FB6]  }
0x3d: {  	_ =	shalt  }
0x3e: {  	_ =	shalt  }
0x3f: {  	_ =	shalt  }
0x40: {  	_ =	shalt  }
0x41: {  	_ =	shalt  }
0x42: {  	_ =	shalt  }
0x43: {  	_ =	shalt  }
0x44: {  	_ =	shalt  }
0x45: {  	_ =	shalt  }
0x46: {  	_ =	shalt  }
0x47: {  	_ =	shalt  }
0x48: {  	_ =	shalt  }
0x49: {  	_ =	shalt  }
0x4a: {  	_ =	shalt  }
0x4b: {  	_ =	shalt  }
0x4c: {  	_ =	shalt  }
0x4d: {  	_ =	shalt  }
0x4e: {  	_ =	shalt  }
0x4f: {  	_ =	shalt  }
0x50: {  	_ =	shalt  }
0x51: {  	_ =	shalt  }
0x52: {  	_ =	shalt  }
0x53: {  	_ =	shalt  }
0x54: {  	_ =	shalt  }
0x55: {  	_ =	shalt  }
0x56: {  	_ =	shalt  }
0x57: {  	_ =	shalt  }
0x58: {  	_ =	shalt  }
0x59: {  	_ =	shalt  }
0x5a: {  	_ =	shalt  }
0x5b: {  	_ =	shalt  }
0x5c: {  	_ =	shalt  }
0x5d: {  	_ =	shalt  }
0x5e: {  	_ =	shalt  }
0x5f: {  	_ =	shalt  }
0x60: {  	_ =	shalt  }
0x61: {  	_ =	shalt  }
0x62: {  	_ =	shalt  }
0x63: {  	_ =	shalt  }
0x64: {  	_ =	shalt  }
0x65: {  	_ =	shalt  }
0x66: {  	_ =	shalt  }
0x67: {  	_ =	shalt  }
0x68: {  	_ =	shalt  }
0x69: {  	_ =	shalt  }
0x6a: {  	_ =	shalt  }
0x6b: {  	_ =	shalt  }
0x6c: {  	_ =	shalt  }
0x6d: {  	_ =	shalt  }
0x6e: {  	_ =	shalt  }
0x6f: {  	_ =	shalt  }
0x70: {  	_ =	shalt  }
0x71: {  	_ =	shalt  }
0x72: {  	_ =	shalt  }
0x73: {  	_ =	shalt  }
0x74: {  	_ =	shalt  }
0x75: {  	_ =	shalt  }
0x76: {  	_ =	shalt  }
0x77: {  	_ =	shalt  }
0x78: {  	_ =	shalt  }
0x79: {  	_ =	shalt  }
0x7a: {  	_ =	shalt  }
0x7b: {  	_ =	shalt  }
0x7c: {  	_ =	shalt  }
0x7d: {  	_ =	shalt  }
0x7e: {  	_ =	shalt  }
0x7f: {  	_ =	shalt  }
0x80: {  	_ =	shalt  }
0x81: {  	_ =	shalt  }
0x82: {  	_ =	shalt  }
0x83: {  	_ =	shalt  }
0x84: {  	_ =	shalt  }
0x85: {  	_ =	shalt  }
0x86: {  	_ =	shalt  }
0x87: {  	_ =	shalt  }
.Lfunc_end0:
.L_simem_size_0:
called_computation.2_lowered:
.L_overlay_start_0:
0x88: {  	s2 =	sld [smem:$0x3FD9]  }
0x89: {  	s3 =	sld [smem:$0x3FFE];
	_ =	sdelay $0x1  }
0x8a: {  	s1 =	srdreg.scid  }
0x8b: {  	s0 =	sand.u32 $0x1, s1  }
0x8c: {  	s17 =	sshll.u32 s0, $0xA;
	s2 =	sadd.s32 s3, s2  }
0x8d: {  	s2 =	sadd.s32 s2, s17  }
0x8e: {  	[smem:$0x3FC2] =	sst s2  }
0x8f: {  	_ = 	snop  }
0x90: {  	s2 =	sld [smem:$0x3FD0];
	(tm) =	ssettm $0x1  }
0x91: {  	s18 =	sld [smem:$0x3FFB];
	_ =	sdelay $0x3  }
0x92: {  	_ =	strace s18  }
0x93: {  	s3 =	sld [smem:$0x3FFC];
	_ =	sdelay $0x3  }
0x94: {  	_ =	strace s3  }
0x95: {  	s3 =	sld [smem:$0x3FFD];
	_ =	sdelay $0x3  }
0x96: {  	_ =	strace s3  }
0x97: {  	_ =	strace $0x8FFFFFFF  }
0x98: {  	s19 =	sld [smem:$0x3FDB];
	_ =	sdelay $0x1  }
0x99: {  	s4 =	simm.s32 $_scs_section_size  }
0x9a: {  	s5 =	simm.s32 $_size__tile_overlayer_lowered;
	s6 =	simm.s32 $_tile_overlayer_lowered  }
0x9b: {  	s22 =	simm.s32 $0x1BFF;
	s21 =	sshll.u32 s6, $0x1;
	s3 =	sadd.s32 s4, s19  }
0x9c: {  	s7 =	simm.s32 $0x0;
	s20 =	sshll.u32 s5, $0x1;
	s5 =	sadd.s32 s21, s3  }
0x9d: {  	[timem:s7], [sflag:s22] =	dma.local [hbm:s5], s20  }
0x9e: {  	_ =	swait.ge [sflag:s22], s20  }
0x9f: {  	s4 =	ssub.s32 $0x0, s20;
	[sflag:s22] =	ssyncset.done $0x0  }
0xa0: {  	[sflag:s22] =	ssyncadd.s32 s4;
	_ =	sdelay $0x1  }
0xa1: {  	s23 =	simm.s32 $0x1B8B  }
0xa2: {  	_ =	swait.ge [sflag:s23], $0x1  }
0xa3: {  	[sflag:s23] =	ssyncset.done $0x0  }
0xa4: {  	s25 =	simm.s32 $0x1B8E;
	s24 =	sld [smem:$0x3FFE];
	[sflag:s23] =	ssyncadd.s32 $0xFFFFFFFF  }
0xa5: {  	s26 =	simm.s32 $execute0_lowered;
	[smem:$0x3FD2] =	sst s25  }
0xa6: {  	s5 =	sshll.u32 s26, $0x1;
	_ =	strace $0x8000004C;
	[dreg:$0x1] =	wrdreg $0xFFFFFFFF  }
0xa7: {  	s28 =	simm.s32 $_size_execute0_lowered;
	s3 =	sadd.s32 s3, s5;
	[dreg:$0x0] =	wrdreg $0x0  }
0xa8: {  	s5 =	sshll.u32 s28, $0x1;
	[dreg:$0x2] =	wrdreg s3  }
0xa9: {  	[dreg:$0x3] =	wrdreg s5  }
0xaa: {  	[dreg:$0x4] =	wrdreg $0xC0  }
0xab: {  	_ =	task [dreg:s7], $0x5FFFF  }
0xac: {  	[dreg:$0x1] =	wrdreg $0xFFFFFFFF  }
0xad: {  	[dreg:$0x0] =	wrdreg $0x60  }
0xae: {  	[dreg:$0x2] =	wrdreg s2  }
0xaf: {  	[dreg:$0x3] =	wrdreg s24  }
0xb0: {  	[dreg:$0x4] =	wrdreg $0x0  }
0xb1: {  	[dreg:$0x5] =	wrdreg $0x9  }
0xb2: {  	_ =	task.clear_ibuf [dreg:s7], $0x6FFFF;
	_ =	strace $0x9000004C  }
0xb3: {  	s29 =	simm.s32 $0x9;
	_ =	strace $0x8000004E  }
0xb4: {  	_ =	swait.ge [sflag:s29], $0x1  }
0xb5: {  	[sflag:s29] =	ssyncadd.s32 $0xFFFFFFFF  }
0xb6: {  	_ =	strace $0x9000004E  }
0xb7: {  	_ =	sfence  }
0xb8: {  	s30 =	sld [smem:$0x0];
	_ =	sdelay $0x2  }
0xb9: {  	s31 =	sshll.u32 s1, $0xD;
	s1 =	sshrl.u32 s1, $0x2  }
0xba: {  	s3 =	sand.u32 $0x4000, s31;
	s1 =	sadd.s32 s1, s30  }
0xbb: {  	s0 =	sor.u32 s3, s0;
	s1 =	sshll.u32 s1, $0x11  }
0xbc: {  	s0 =	sor.u32 s1, s0  }
0xbd: {  	s0 =	sadd.s32 $0x8F2B, s0  }
0xbe: {  	[sflag:s0] =	ssyncadd.remote.s32 $0x1  }
0xbf: {  	_ =	sfence.sel $0xFFFF  }
0xc0: {  	[dreg:$0x0] =	wrdreg $0xFFFFFFFF;
	(pc) =	sbr.abs _section_cstart, $3  }
0xc1: {  	[dreg:$0x1] =	wrdreg $0xFFFFFFFF  }
0xc2: {  	_ =	task.clear_ibuf [dreg:s7], $0x2FFFF;
	_ =	strace $0x9FFFFFFF  }
0xc3: {  	(tm) =	ssettm $0x7FFFFFFF  }
tec
execute0_lowered:
.L_overlay_start_1:
0x0: {  	(tag) =	ssettag $0x1  }
0x1: {  	s1 =	rddreg [dreg:$0x0]  }
0x2: {  	s6 =	rddreg [dreg:$0x1]  }
0x3: {  	s0 =	srdreg.scid;
	s3 =	rddreg [dreg:$0x2];
	s4 =	simm.s32 $0x0  }
0x4: {  	s17 =	simm.s32 $0x13C00;
	s18 =	simm.s32 $0x16380;
	s19 =	simm.s32 $0x1A380  }
0x5: {  	s20 =	simm.s32 $0x3;
	s21 =	simm.s32 $0x1;
	s22 =	simm.s32 $0x2  }
0x6: {  	s23 =	simm.s32 $0x50;
	s24 =	simm.s32 $0x1CB80;
	s25 =	simm.s32 $0x4  }
0x7: {  	s28 =	simm.s32 $0x0;
	s5 =	sand.u32 $0x1, s0;
	s0 =	stileid.u32  }
0x8: {  	[smem:$0x7FF] =	sst s4;
	s2 =	sshll.u32 s5, $0x4;
	s8 =	smul.u32 $0x13C000, s5  }
0x9: {  	s9 =	smul.u32 $0x13C00, s0;
	_ =	strace $0x8000004D;
	s10 =	sshll.u32 s0, $0xB  }
0xa: {  	s29 =	ssub.s32 $0x2, s5;
	s5 =	sshll.u32 s5, $0xF;
	s12 =	smul.u32 $0x4F000, s0  }
0xb: {  	s2 =	sor.u32 s0, s2;
	s26 =	sadd.s32 s10, s6;
	s11 =	sshrl.u32 s29, $0x1  }
0xc: {  	s7 =	smul.u32 $0x4E2, s2;
	s8 =	sadd.s32 s9, s8;
	s10 =	ssub.s32 s29, s11  }
0xd: {  	s30 =	sadd.s32 s5, s26;
	s31 =	sshrl.u32 s12, $0x2;
	s8 =	sshrl.u32 s8, $0x3  }
0xe: {  	s26 =	simm.s32 $0x1A180;
	s7 =	sadd.s32 s7, s6;
	s8 =	sadd.s32 s8, s6  }
0xf: {  	s5 =	sadd.s32 $0x2800, s7;
	s7 =	sadd.s32 $0x6B600, s8;
	s8 =	sadd.s32 s31, s3  }
0x10: {  	s9 =	smax.u32 s10, $0x1;
	s6 =	sadd.s32 $0xC600, s30;
	s10 =	sadd.s32 $0x2780, s8  }
0x11: {  	s11 =	sadd.s32 $0x4F00, s8;
	s12 =	sadd.s32 $0x7680, s8;
	s13 =	sadd.s32 $0x9E00, s8  }
0x12: {  	v0 =	vimm.f32 $0.0e+00;
	s14 =	sadd.s32 $0xC580, s8;
	s15 =	sadd.s32 $0xED00, s8;
	s16 =	sadd.s32 $0x11480, s8  }
.LBB2_1:
0x13: {  	[tilespmem:s17], [sflag:$0x1] =	stream.linear.gather [hbm4b:s5+s4], $0x2710, $0x38;
	[tilespmem:$0x1F380] =	vst v63  }
0x14: {  	s29 =	sand.u32 $0xFE00, s4  }
0x15: {  	s30 =	sand.u32 $0x70, s4;
	s31 =	sshrl.u32 s29, $0x2  }
0x16: {  	[tilespmem:s18], [sflag:$0x2] =	stream.linear.gather [hbm4b:s6+s4], $0x3E80, $0x38;
	[tilespmem:$0x1F380] =	vst v63  }
0x17: {  	s29 =	simm.s32 $0x40;
	s31 =	sor.u32 s30, s31;
	s30 =	simm.s32 $0x0  }
.LBB2_2:
0x18: {  	p0 =	sne.s32 s29, $0x9FC0  }
0x19: {  	[tilespmem:s31+$0x1A380] =	vst v0;
	s30 =	sadd.s32 $0x10, s30;
	s31 =	smov.u32 s29;
	s29 =	sadd.s32 $0x40, s29  }
.Ltmp0:
0x1a: {  	(pc) =	sbr.rel @p0 .LBB2_2-.Ltmp0, $4  }
0x1b: {  	_ = 	snop  }
0x1c: {  	s31 =	sand.u32 $0xFE00, s31  }
0x1d: {  	s2 =	sand.u32 $0x70, s30;
	s31 =	sshrl.u32 s31, $0x2  }
0x1e: {  	s31 =	sor.u32 s2, s31  }
0x1f: {  	[tilespmem:s31+$0x1A380] =	vst v0  }
0x20: {  	[spmem:s8] =	stream.linear.scatter [tilespmem:s19], [sflag:$0x3], $0x2780, $0x38;
	[tilespmem:$0x1F380] =	vst v63  }
0x21: {  	_ =	swait.ge [sflag:s20], $0x2780  }
0x22: {  	[sflag:s20] =	ssyncset.done $0x0  }
0x23: {  	[sflag:s20] =	ssyncadd.s32 $0xFFFFD880  }
0x24: {  	[spmem:s10] =	stream.linear.scatter [tilespmem:s19], [sflag:$0x3], $0x2780, $0x38;
	[tilespmem:$0x1F380] =	vst v63  }
0x25: {  	_ =	swait.ge [sflag:s20], $0x2780  }
0x26: {  	[sflag:s20] =	ssyncset.done $0x0  }
0x27: {  	[sflag:s20] =	ssyncadd.s32 $0xFFFFD880  }
0x28: {  	[spmem:s11] =	stream.linear.scatter [tilespmem:s19], [sflag:$0x3], $0x2780, $0x38;
	[tilespmem:$0x1F380] =	vst v63  }
0x29: {  	_ =	swait.ge [sflag:s20], $0x2780  }
0x2a: {  	[sflag:s20] =	ssyncset.done $0x0  }
0x2b: {  	[sflag:s20] =	ssyncadd.s32 $0xFFFFD880  }
0x2c: {  	[spmem:s12] =	stream.linear.scatter [tilespmem:s19], [sflag:$0x3], $0x2780, $0x38;
	[tilespmem:$0x1F380] =	vst v63  }
0x2d: {  	_ =	swait.ge [sflag:s20], $0x2780  }
0x2e: {  	[sflag:s20] =	ssyncset.done $0x0  }
0x2f: {  	[sflag:s20] =	ssyncadd.s32 $0xFFFFD880  }
0x30: {  	[spmem:s13] =	stream.linear.scatter [tilespmem:s19], [sflag:$0x3], $0x2780, $0x38;
	[tilespmem:$0x1F380] =	vst v63  }
0x31: {  	_ =	swait.ge [sflag:s20], $0x2780  }
0x32: {  	[sflag:s20] =	ssyncset.done $0x0  }
0x33: {  	[sflag:s20] =	ssyncadd.s32 $0xFFFFD880  }
0x34: {  	[spmem:s14] =	stream.linear.scatter [tilespmem:s19], [sflag:$0x3], $0x2780, $0x38;
	[tilespmem:$0x1F380] =	vst v63  }
0x35: {  	_ =	swait.ge [sflag:s20], $0x2780  }
0x36: {  	[sflag:s20] =	ssyncset.done $0x0  }
0x37: {  	[sflag:s20] =	ssyncadd.s32 $0xFFFFD880  }
0x38: {  	[spmem:s15] =	stream.linear.scatter [tilespmem:s19], [sflag:$0x3], $0x2780, $0x38;
	[tilespmem:$0x1F380] =	vst v63  }
0x39: {  	_ =	swait.ge [sflag:s20], $0x2780  }
0x3a: {  	[sflag:s20] =	ssyncset.done $0x0  }
0x3b: {  	[sflag:s20] =	ssyncadd.s32 $0xFFFFD880  }
0x3c: {  	[spmem:s16] =	stream.linear.scatter [tilespmem:s19], [sflag:$0x3], $0x2780, $0x38;
	[tilespmem:$0x1F380] =	vst v63  }
0x3d: {  	_ =	swait.ge [sflag:s20], $0x2780  }
0x3e: {  	[sflag:s20] =	ssyncset.done $0x0  }
0x3f: {  	[sflag:s20] =	ssyncadd.s32 $0xFFFFD880  }
0x40: {  	_ =	swait.ge [sflag:s21], $0x2710  }
0x41: {  	[sflag:s21] =	ssyncset.done $0x0  }
0x42: {  	[sflag:s21] =	ssyncadd.s32 $0xFFFFD8F0  }
0x43: {  	_ =	swait.ge [sflag:s22], $0x3E80  }
0x44: {  	[sflag:s22] =	ssyncset.done $0x0  }
0x45: {  	[sflag:s22] =	ssyncadd.s32 $0xFFFFC180  }
0x46: {  	[bflag:$0x0] =	sbarrier.arrive $0xFFFF  }
0x47: {  	[tilespmem:s19], [sflag:$0x1] =	stream.indirect.gather [hbm4b:s1+s23], $0x80, s17, s23, $0xb8;
	[tilespmem:$0x1F380] =	vst v63  }
0x48: {  	s29 =	simm.s32 $0x13C50  }
0x49: {  	[tilespmem:s24], [sflag:$0x2] =	stream.indirect.gather [hbm4b:s1+s23], $0x80, s29, s23, $0xb8;
	[tilespmem:$0x1F380] =	vst v63  }
0x4a: {  	_ =	swait.ge [sflag:s21], $0x2800  }
0x4b: {  	[sflag:s21] =	ssyncset.done $0x0  }
0x4c: {  	s2 =	simm.s32 $0x16380;
	[sflag:s21] =	ssyncadd.s32 $0xFFFFD800  }
0x4d: {  	[spmem:s3] =	stream.indirect.scatter.add.f32 [tilespmem:s19], [sflag:$0x4], $0x80, s2, s23, $0xb8;
	[tilespmem:$0x1F380] =	vst v63  }
0x4e: {  	_ =	swait.ge [sflag:s25], $0x2800  }
0x4f: {  	[sflag:s25] =	ssyncset.done $0x0  }
0x50: {  	s31 =	simm.s32 $0x13CA0;
	[sflag:s25] =	ssyncadd.s32 $0xFFFFD800  }
0x51: {  	[tilespmem:s19], [sflag:$0x1] =	stream.indirect.gather [hbm4b:s1+s23], $0x80, s31, s23, $0xb8;
	[tilespmem:$0x1F380] =	vst v63  }
0x52: {  	_ =	swait.ge [sflag:s22], $0x2800  }
0x53: {  	[sflag:s22] =	ssyncset.done $0x0  }
0x54: {  	s31 =	simm.s32 $0x16400;
	[sflag:s22] =	ssyncadd.s32 $0xFFFFD800  }
0x55: {  	[spmem:s3] =	stream.indirect.scatter.add.f32 [tilespmem:s24], [sflag:$0x3], $0x80, s31, s23, $0xb8;
	[tilespmem:$0x1F380] =	vst v63  }
0x56: {  	_ =	swait.ge [sflag:s20], $0x2800  }
0x57: {  	s30 =	simm.s32 $0x400;
	[sflag:s20] =	ssyncset.done $0x0  }
.LBB2_4:
0x58: {  	p0 =	sne.s32 s30, $0xF400;
	[sflag:s20] =	ssyncadd.s32 $0xFFFFD800;
	s29 =	sadd.s32 $0xA0, s29  }
0x59: {  	[tilespmem:s24], [sflag:$0x2] =	stream.indirect.gather [hbm4b:s1+s23], $0x80, s29, s23, $0xb8;
	[tilespmem:$0x1F380] =	vst v63  }
0x5a: {  	s2 =	smov.u32 s30;
	s30 =	sadd.s32 $0x400, s30;
	_ =	swait.ge [sflag:s21], $0x2800  }
0x5b: {  	s2 =	sshra.s32 s2, $0x2;
	[sflag:s21] =	ssyncset.done $0x0  }
0x5c: {  	s31 =	sadd.s32 $0x16380, s2;
	[sflag:s21] =	ssyncadd.s32 $0xFFFFD800  }
0x5d: {  	[spmem:s3] =	stream.indirect.scatter.add.f32 [tilespmem:s19], [sflag:$0x4], $0x80, s31, s23, $0xb8;
	[tilespmem:$0x1F380] =	vst v63  }
0x5e: {  	_ =	swait.ge [sflag:s25], $0x2800  }
0x5f: {  	[sflag:s25] =	ssyncset.done $0x0  }
0x60: {  	s31 =	sadd.s32 $0x50, s29;
	[sflag:s25] =	ssyncadd.s32 $0xFFFFD800  }
0x61: {  	[tilespmem:s19], [sflag:$0x1] =	stream.indirect.gather [hbm4b:s1+s23], $0x80, s31, s23, $0xb8;
	[tilespmem:$0x1F380] =	vst v63  }
0x62: {  	_ =	swait.ge [sflag:s22], $0x2800  }
.Ltmp1:
0x63: {  	[sflag:s22] =	ssyncset.done $0x0;
	(pc) =	sbr.rel @p0 .LBB2_4-.Ltmp1, $4  }
0x64: {  	s2 =	sadd.s32 $0x16400, s2;
	[sflag:s22] =	ssyncadd.s32 $0xFFFFD800  }
0x65: {  	[spmem:s3] =	stream.indirect.scatter.add.f32 [tilespmem:s24], [sflag:$0x3], $0x80, s2, s23, $0xb8;
	[tilespmem:$0x1F380] =	vst v63  }
0x66: {  	_ =	swait.ge [sflag:s20], $0x2800  }
0x67: {  	[sflag:s20] =	ssyncset.done $0x0  }
0x68: {  	[sflag:s20] =	ssyncadd.s32 $0xFFFFD800  }
0x69: {  	_ =	swait.ge [sflag:s21], $0x2800  }
0x6a: {  	[sflag:s21] =	ssyncset.done $0x0  }
0x6b: {  	[sflag:s21] =	ssyncadd.s32 $0xFFFFD800  }
0x6c: {  	[spmem:s3] =	stream.indirect.scatter.add.f32 [tilespmem:s19], [sflag:$0x4], $0x80, s26, s23, $0xb8;
	[tilespmem:$0x1F380] =	vst v63  }
0x6d: {  	_ =	swait.ge [sflag:s25], $0x2800  }
0x6e: {  	s2 =	sshll.u32 s0, $0x6;
	s28 =	sadd.s32 $0x1, s28;
	[sflag:s25] =	ssyncset.done $0x0  }
0x6f: {  	s29 =	sshrl.u32 s8, $0x3;
	p0 =	sne.s32 s28, s9;
	[sflag:s25] =	ssyncadd.s32 $0xFFFFD800  }
.Ltmp2:
0x70: {  	s2 =	sor.u32 $0x1C03, s2;
	[bflag:$0x0] =	sbarrier.arrive $0xFFFF;
	(pc) =	sbr.rel @p0 .LBB2_1-.Ltmp2, $4  }
0x71: {  	[hbm:s7], [sflag:s2] =	dma.local [spmem:s29], $0x2780  }
0x72: {  	_ =	swait.ge [sflag:s20], $0x2780  }
0x73: {  	[sflag:s20] =	ssyncset.done $0x0  }
0x74: {  	[sflag:s20] =	ssyncadd.s32 $0xFFFFD880  }
0x75: {  	_ =	sfence.sel $0x180000  }
0x76: {  	[bflag:$0x0] =	sbarrier.arrive $0xFFFF  }
0x77: {  	_ =	strace $0x9000004D  }
0x78: {  	[bflag:$0x2] =	sbarrier.arrive $0xFFFF  }
0x79: {  	p0 =	sne.s32 s0, $0x0;
	s0 =	rddreg [dreg:$0x3]  }
0x7a: {  	s0 =	sadd.s32 @!p0 $0x100000, s0  }
0x7b: {  	[sflag:s0] =	ssyncadd.tile.s32 @!p0 $0x1;
	_ =	shalt  }
.Lfunc_end2:
_tile_overlayer_lowered:
.L_overlay_start_2:
0x7c: {  	(tag) =	ssettag $0x2  }
0x7d: {  	s0 =	rddreg [dreg:$0x0];
	s2 =	stileid.u32  }
0x7e: {  	s1 =	rddreg [dreg:$0x1];
	p0 =	sne.s32 s2, $0x0  }
0x7f: {  	s3 =	rddreg [dreg:$0x2];
	[bflag:$0x3] =	sbarrier.arrive $0xFFFF;
	s2 =	simm.s32 @!p0 $0x1C03  }
0x80: {  	[timem:s3], [sflag:s2] =	dma.local @!p0 [hbm:s0], s1  }
0x81: {  	s0 =	simm.s32 @!p0 $0x3  }
0x82: {  	_ =	swait.ge @!p0 [sflag:s0], s1  }
0x83: {  	s1 =	ssub.s32 @!p0 $0x0, s1;
	[sflag:s0] =	ssyncset.done @!p0 $0x0  }
0x84: {  	[sflag:s0] =	ssyncadd.s32 @!p0 s1  }
0x85: {  	[bflag:$0x3] =	sbarrier.arrive $0xFFFF  }
0x86: {  	_ =	shalt  }

// kernel: kernel.9.cloned.1.call-start
scs
__scs_entry_jumppad:
0x0: {  	(pc) =	sbr.rel $0x88, $3  }
0x1: {  	(tag) =	ssettag $0x0;
	lr =	simm.s32 $0x1  }
0x2: {  	[smem:$0x3F9B] =	sst lr;
	_ =	strace $0xD0000000  }
0x3: {  	_ = 	snop  }
0x4: {  	_ = 	snop  }
0x5: {  	_ = 	snop  }
0x6: {  	_ = 	snop  }
0x7: {  	_ = 	snop  }
__scs_overlays_trampoline_lowered:
0x8: {  	[smem:$0x3FAA] =	sst s0  }
0x9: {  	[smem:$0x3FAB] =	sst s1  }
0xa: {  	[smem:$0x3FAC] =	sst s2  }
0xb: {  	[smem:$0x3FAD] =	sst s3  }
0xc: {  	[smem:$0x3FAE] =	sst s4  }
0xd: {  	[smem:$0x3FAF] =	sst s5  }
0xe: {  	[smem:$0x3FB0] =	sst s6  }
0xf: {  	[smem:$0x3FB1] =	sst s7  }
0x10: {  	[smem:$0x3FB2] =	sst s8  }
0x11: {  	[smem:$0x3FB3] =	sst s9;
	s0 =	simm.s32 @!p0 $0x0  }
0x12: {  	s1 =	sld [smem:$0x3F99];
	s0 =	simm.s32 @p0 $0x1  }
0x13: {  	[smem:$0x3FB4] =	sst s0;
	s0 =	simm.s32 @!p1 $0x0  }
0x14: {  	s2 =	sld [smem:$0x3F98];
	s0 =	simm.s32 @p1 $0x1  }
0x15: {  	[smem:$0x3FB5] =	sst s0;
	s0 =	simm.s32 @!p2 $0x0  }
0x16: {  	s3 =	sld [smem:$0x3FDB];
	s0 =	simm.s32 @p2 $0x1  }
0x17: {  	s4 =	simm.s32 $0x1BF5;
	[smem:$0x3FB7] =	sst s0  }
0x18: {  	s0 =	sld [smem:$0x3F9A];
	_ =	swait.ge [sflag:s4], $0x0  }
0x19: {  	s7 =	sld [smem:$0x3F9B]  }
0x1a: {  	s8 =	sadd.s32 $0xFFFFE003, lr  }
0x1b: {  	s9 =	sadd.s32 $0xFFFFFEF7, lr;
	s5 =	simm.s32 $0xFFFFFFFF;
	p2 =	slt.u32 s8, $0xFFFFF086  }
0x1c: {  	p1 =	slt.u32 s9, $0xF7A;
	s5 =	simm.s32 @!p2 $0x0  }
0x1d: {  	s5 =	simm.s32 @p1 $0x1;
	p0 =	seq.s32 s7, s2  }
0x1e: {  	s7 =	smul.u32 @!p0 $0xF7A, s2;
	p2 =	seq.s32 @!p0 s5, $0x0  }
0x1f: {  	s9 =	smul.u32 $0xF7A, s1;
	s8 =	simm.s32 @!p0 $0x1BF5;
	p2 =	por !p2, p0  }
0x20: {  	[sflag:s8] =	ssyncset.s32 @!p0 $0xFFFFF086;
	s6 =	sadd.s32 @!p0 s3, s7;
	s7 =	simm.s32 @!p0 $0x108  }
0x21: {  	s3 =	sadd.s32 s3, s9;
	s6 =	sadd.s32 @!p0 $0x88, s6;
	s7 =	simm.s32 @p2 $0x1082  }
0x22: {  	[simem:s7], [sflag:s8] =	dma.local @!p0 [hbm:s6], $0xF7A  }
0x23: {  	s9 =	sor.u32 $0xD0000000, s2;
	s6 =	simm.s32 $0x108;
	_ =	swait.ge @!p0 [sflag:s8], $0x0  }
0x24: {  	s3 =	sadd.s32 $0x88, s3;
	s6 =	simm.s32 @!p1 $0x1082;
	[sflag:s4] =	ssyncset.s32 $0xFFFFF086  }
0x25: {  	[simem:s6], [sflag:s4] =	dma.local [hbm:s3], $0xF7A  }
0x26: {  	[smem:$0x3F9B] =	sst s1;
	(tag) =	ssettag s2;
	_ =	strace s9  }
0x27: {  	s1 =	sld [smem:$0x3FAB]  }
0x28: {  	s2 =	sld [smem:$0x3FAC]  }
0x29: {  	s4 =	sld [smem:$0x3FAE]  }
0x2a: {  	p0 =	seq.s32 s5, $0x0;
	s5 =	sld [smem:$0x3FAF]  }
0x2b: {  	s6 =	sld [smem:$0x3FB0]  }
0x2c: {  	s7 =	sld [smem:$0x3FB1]  }
0x2d: {  	s3 =	simm.s32 $0x108;
	s8 =	sld [smem:$0x3FB2]  }
0x2e: {  	s3 =	simm.s32 @!p0 $0x1082;
	s9 =	sld [smem:$0x3FB3]  }
0x2f: {  	lr =	sadd.s32 s0, s3;
	s0 =	sld [smem:$0x3FAA]  }
0x30: {  	s3 =	sld [smem:$0x3FAD]  }
0x31: {  	[smem:$0x3FB6] =	sst s10  }
0x32: {  	s10 =	sld [smem:$0x3FB4];
	_ =	sdelay $0x3  }
0x33: {  	p0 =	seq.s32 s10, $0x1;
	s10 =	sld [smem:$0x3FB6];
	_ =	sdelay $0x3  }
0x34: {  	[smem:$0x3FB6] =	sst s10  }
0x35: {  	s10 =	sld [smem:$0x3FB5];
	_ =	sdelay $0x3  }
0x36: {  	p1 =	seq.s32 s10, $0x1;
	s10 =	sld [smem:$0x3FB6];
	_ =	sdelay $0x3  }
0x37: {  	[smem:$0x3FB6] =	sst s10  }
0x38: {  	s10 =	sld [smem:$0x3FB7]  }
0x39: {  	_ = 	snop;
	(pc) =	sbr.ind lr, $3  }
0x3a: {  	_ = 	snop  }
0x3b: {  	_ = 	snop  }
0x3c: {  	p2 =	seq.s32 s10, $0x1;
	s10 =	sld [smem:$0x3FB6]  }
0x3d: {  	_ =	shalt  }
0x3e: {  	_ =	shalt  }
0x3f: {  	_ =	shalt  }
0x40: {  	_ =	shalt  }
0x41: {  	_ =	shalt  }
0x42: {  	_ =	shalt  }
0x43: {  	_ =	shalt  }
0x44: {  	_ =	shalt  }
0x45: {  	_ =	shalt  }
0x46: {  	_ =	shalt  }
0x47: {  	_ =	shalt  }
0x48: {  	_ =	shalt  }
0x49: {  	_ =	shalt  }
0x4a: {  	_ =	shalt  }
0x4b: {  	_ =	shalt  }
0x4c: {  	_ =	shalt  }
0x4d: {  	_ =	shalt  }
0x4e: {  	_ =	shalt  }
0x4f: {  	_ =	shalt  }
0x50: {  	_ =	shalt  }
0x51: {  	_ =	shalt  }
0x52: {  	_ =	shalt  }
0x53: {  	_ =	shalt  }
0x54: {  	_ =	shalt  }
0x55: {  	_ =	shalt  }
0x56: {  	_ =	shalt  }
0x57: {  	_ =	shalt  }
0x58: {  	_ =	shalt  }
0x59: {  	_ =	shalt  }
0x5a: {  	_ =	shalt  }
0x5b: {  	_ =	shalt  }
0x5c: {  	_ =	shalt  }
0x5d: {  	_ =	shalt  }
0x5e: {  	_ =	shalt  }
0x5f: {  	_ =	shalt  }
0x60: {  	_ =	shalt  }
0x61: {  	_ =	shalt  }
0x62: {  	_ =	shalt  }
0x63: {  	_ =	shalt  }
0x64: {  	_ =	shalt  }
0x65: {  	_ =	shalt  }
0x66: {  	_ =	shalt  }
0x67: {  	_ =	shalt  }
0x68: {  	_ =	shalt  }
0x69: {  	_ =	shalt  }
0x6a: {  	_ =	shalt  }
0x6b: {  	_ =	shalt  }
0x6c: {  	_ =	shalt  }
0x6d: {  	_ =	shalt  }
0x6e: {  	_ =	shalt  }
0x6f: {  	_ =	shalt  }
0x70: {  	_ =	shalt  }
0x71: {  	_ =	shalt  }
0x72: {  	_ =	shalt  }
0x73: {  	_ =	shalt  }
0x74: {  	_ =	shalt  }
0x75: {  	_ =	shalt  }
0x76: {  	_ =	shalt  }
0x77: {  	_ =	shalt  }
0x78: {  	_ =	shalt  }
0x79: {  	_ =	shalt  }
0x7a: {  	_ =	shalt  }
0x7b: {  	_ =	shalt  }
0x7c: {  	_ =	shalt  }
0x7d: {  	_ =	shalt  }
0x7e: {  	_ =	shalt  }
0x7f: {  	_ =	shalt  }
0x80: {  	_ =	shalt  }
0x81: {  	_ =	shalt  }
0x82: {  	_ =	shalt  }
0x83: {  	_ =	shalt  }
0x84: {  	_ =	shalt  }
0x85: {  	_ =	shalt  }
0x86: {  	_ =	shalt  }
0x87: {  	_ =	shalt  }
.Lfunc_end0:
.L_simem_size_0:
called_computation_lowered:
.L_overlay_start_0:
0x88: {  	s2 =	sld [smem:$0x3FD9]  }
0x89: {  	s3 =	sld [smem:$0x3FFE];
	_ =	sdelay $0x1  }
0x8a: {  	s1 =	srdreg.scid  }
0x8b: {  	s0 =	sand.u32 $0x1, s1  }
0x8c: {  	s16 =	sshll.u32 s0, $0xA;
	s2 =	sadd.s32 s3, s2  }
0x8d: {  	s2 =	sadd.s32 s2, s16  }
0x8e: {  	[smem:$0x3FC2] =	sst s2  }
0x8f: {  	_ = 	snop  }
0x90: {  	(tm) =	ssettm $0x1  }
0x91: {  	s17 =	sld [smem:$0x3FFB];
	_ =	sdelay $0x3  }
0x92: {  	_ =	strace s17  }
0x93: {  	s2 =	sld [smem:$0x3FFC];
	_ =	sdelay $0x3  }
0x94: {  	_ =	strace s2  }
0x95: {  	s2 =	sld [smem:$0x3FFD];
	_ =	sdelay $0x3  }
0x96: {  	_ =	strace s2  }
0x97: {  	_ =	strace $0x8FFFFFFF  }
0x98: {  	s18 =	sld [smem:$0x3FDB];
	_ =	sdelay $0x1  }
0x99: {  	s19 =	simm.s32 $_scs_section_size  }
0x9a: {  	s4 =	simm.s32 $_size__tile_overlayer_lowered;
	s5 =	simm.s32 $_tile_overlayer_lowered  }
0x9b: {  	s22 =	simm.s32 $0x1BFF;
	s21 =	sshll.u32 s5, $0x1;
	s2 =	sadd.s32 s19, s18  }
0x9c: {  	s6 =	simm.s32 $0x0;
	s20 =	sshll.u32 s4, $0x1;
	s4 =	sadd.s32 s21, s2  }
0x9d: {  	[timem:s6], [sflag:s22] =	dma.local [hbm:s4], s20  }
0x9e: {  	_ =	swait.ge [sflag:s22], s20  }
0x9f: {  	s3 =	ssub.s32 $0x0, s20;
	[sflag:s22] =	ssyncset.done $0x0  }
0xa0: {  	[sflag:s22] =	ssyncadd.s32 s3;
	_ =	sdelay $0x1  }
0xa1: {  	s23 =	simm.s32 $0x1B8B  }
0xa2: {  	_ =	swait.ge [sflag:s23], $0x1  }
0xa3: {  	[sflag:s23] =	ssyncset.done $0x0  }
0xa4: {  	s25 =	simm.s32 $0x1B8E;
	s24 =	sld [smem:$0x3FFE];
	[sflag:s23] =	ssyncadd.s32 $0xFFFFFFFF  }
0xa5: {  	s26 =	simm.s32 $execute0_lowered;
	[smem:$0x3FD2] =	sst s25  }
0xa6: {  	s4 =	sshll.u32 s26, $0x1;
	_ =	strace $0x80000046;
	[dreg:$0x1] =	wrdreg $0xFFFFFFFF  }
0xa7: {  	s28 =	simm.s32 $_size_execute0_lowered;
	s2 =	sadd.s32 s2, s4;
	[dreg:$0x0] =	wrdreg $0x0  }
0xa8: {  	s4 =	sshll.u32 s28, $0x1;
	[dreg:$0x2] =	wrdreg s2  }
0xa9: {  	[dreg:$0x3] =	wrdreg s4  }
0xaa: {  	[dreg:$0x4] =	wrdreg $0xC0  }
0xab: {  	_ =	task [dreg:s6], $0x5FFFF  }
0xac: {  	[dreg:$0x1] =	wrdreg $0xFFFFFFFF  }
0xad: {  	[dreg:$0x0] =	wrdreg $0x60  }
0xae: {  	[dreg:$0x2] =	wrdreg s24  }
0xaf: {  	[dreg:$0x3] =	wrdreg $0x0  }
0xb0: {  	[dreg:$0x4] =	wrdreg $0x9  }
0xb1: {  	_ =	task.clear_ibuf [dreg:s6], $0x5FFFF;
	_ =	strace $0x90000046  }
0xb2: {  	s29 =	simm.s32 $0x9;
	_ =	strace $0x80000048  }
0xb3: {  	_ =	swait.ge [sflag:s29], $0x1  }
0xb4: {  	[sflag:s29] =	ssyncadd.s32 $0xFFFFFFFF  }
0xb5: {  	_ =	strace $0x90000048  }
0xb6: {  	_ =	sfence  }
0xb7: {  	s30 =	sld [smem:$0x0];
	_ =	sdelay $0x2  }
0xb8: {  	s31 =	sshll.u32 s1, $0xD;
	s1 =	sshrl.u32 s1, $0x2  }
0xb9: {  	s3 =	sand.u32 $0x4000, s31;
	s1 =	sadd.s32 s1, s30  }
0xba: {  	s0 =	sor.u32 s3, s0;
	s1 =	sshll.u32 s1, $0x11  }
0xbb: {  	s0 =	sor.u32 s1, s0  }
0xbc: {  	s0 =	sadd.s32 $0x8F2B, s0  }
0xbd: {  	[sflag:s0] =	ssyncadd.remote.s32 $0x1  }
0xbe: {  	_ =	sfence.sel $0xFFFF  }
0xbf: {  	[dreg:$0x0] =	wrdreg $0xFFFFFFFF;
	(pc) =	sbr.abs _section_cstart, $3  }
0xc0: {  	[dreg:$0x1] =	wrdreg $0xFFFFFFFF  }
0xc1: {  	_ =	task.clear_ibuf [dreg:s6], $0x2FFFF;
	_ =	strace $0x9FFFFFFF  }
0xc2: {  	(tm) =	ssettm $0x7FFFFFFF  }
0xc3: {  	_ =	shalt  }
tec
execute0_lowered:
.L_overlay_start_1:
0x0: {  	(tag) =	ssettag $0x1  }
0x1: {  	s4 =	rddreg [dreg:$0x0];
	s0 =	srdreg.scid  }
0x2: {  	s2 =	rddreg [dreg:$0x1];
	s1 =	stileid.u32  }
0x3: {  	s3 =	simm.s32 $0x0;
	s10 =	simm.s32 $0x2780;
	s11 =	simm.s32 $0x50  }
0x4: {  	s5 =	sand.u32 $0x1, s0;
	s0 =	rddreg [dreg:$0x2];
	s7 =	smul.u32 $0x13C00, s1  }
0x5: {  	[smem:$0x7FF] =	sst s3;
	s8 =	sshll.u32 s1, $0xB;
	s29 =	smul.u32 $0x4F000, s1  }
0x6: {  	s12 =	sshll.u32 s1, $0x6;
	s6 =	smul.u32 $0x13C000, s5;
	_ =	strace $0x80000047  }
0x7: {  	s28 =	sadd.s32 s8, s4;
	s30 =	ssub.s32 $0x2, s5;
	s5 =	sshll.u32 s5, $0xF  }
0x8: {  	s12 =	sor.u32 $0x1C01, s12;
	s9 =	sshrl.u32 s30, $0x1;
	s8 =	sshrl.u32 s29, $0x2  }
0x9: {  	s5 =	sadd.s32 s5, s28;
	s6 =	sadd.s32 s7, s6;
	s31 =	ssub.s32 s30, s9  }
0xa: {  	s5 =	sadd.s32 $0xC600, s5;
	s9 =	simm.s32 $0x1;
	s6 =	sshrl.u32 s6, $0x3  }
0xb: {  	s7 =	smax.u32 s31, $0x1;
	s6 =	sadd.s32 s6, s4;
	s4 =	sadd.s32 s8, s2  }
0xc: {  	v0 =	vimm.f32 $0.0e+00;
	v1 =	vimm.f32 $1.000000000e+00;
	s8 =	simm.s32 $0x6780;
	s6 =	sadd.s32 $0x1C600, s6;
	s13 =	sshrl.u32 s4, $0x3  }
.LBB2_1:
0xd: {  	s14 =	simm.s32 $0x200;
	s15 =	simm.s32 $0x0  }
.LBB2_2:
0xe: {  	p0 =	sne.s32 s14, $0x4EE00;
	[tilespmem:s15+$0x6780] =	vst v0;
	s15 =	smov.u32 s14;
	s14 =	sadd.s32 $0x200, s14  }
.Ltmp0:
0xf: {  	(pc) =	sbr.rel @p0 .LBB2_2-.Ltmp0, $2  }
0x10: {  	_ =	sdelay $0x2  }
0x11: {  	s15 =	sshra.s32 s15, $0x2  }
0x12: {  	[tilespmem:s15+$0x6780] =	vst v0  }
0x13: {  	[spmem:s4] =	stream.linear.scatter [tilespmem:s8], [sflag:$0x1], $0x13C00, $0x38;
	[tilespmem:$0x1A380] =	vst v63  }
0x14: {  	_ =	swait.ge [sflag:s9], $0x13C00  }
0x15: {  	[sflag:s9] =	ssyncset.done $0x0  }
0x16: {  	s14 =	simm.s32 $0x0;
	[sflag:s9] =	ssyncadd.s32 $0xFFFEC400  }
0x17: {  	[tilespmem:s10], [sflag:$0x1] =	stream.linear.gather [hbm4b:s5+s14], $0x3E80, $0x38;
	[tilespmem:$0x1A380] =	vst v63  }
0x18: {  	_ =	swait.ge [sflag:s9], $0x3E80  }
0x19: {  	[sflag:s9] =	ssyncset.done $0x0  }
0x1a: {  	s15 =	simm.s32 $0x0;
	s14 =	simm.s32 $0x200;
	[sflag:s9] =	ssyncadd.s32 $0xFFFFC180  }
.LBB2_4:
0x1b: {  	p0 =	sne.s32 s14, $0x9E00;
	[tilespmem:s15+$0x6780] =	vst v1;
	s15 =	smov.u32 s14;
	s14 =	sadd.s32 $0x200, s14  }
.Ltmp1:
0x1c: {  	(pc) =	sbr.rel @p0 .LBB2_4-.Ltmp1, $2  }
0x1d: {  	_ =	sdelay $0x2  }
0x1e: {  	s15 =	sshra.s32 s15, $0x2  }
0x1f: {  	[tilespmem:s15+$0x6780] =	vst v1  }
0x20: {  	s14 =	simm.s32 $0x2780;
	[bflag:$0x0] =	sbarrier.arrive $0xFFFF  }
0x21: {  	[spmem:s2] =	stream.indirect.scatter.add.f32 [tilespmem:s8], [sflag:$0x1], $0x10, s14, s11, $0xb8;
	[tilespmem:$0x1A380] =	vst v63  }
0x22: {  	s14 =	simm.s32 $0x200;
	_ =	swait.ge [sflag:s9], $0x500  }
.LBB2_6:
0x23: {  	s15 =	sshra.s32 s14, $0x2;
	[sflag:s9] =	ssyncset.done $0x0;
	p0 =	sne.s32 s14, $0xF800  }
.Ltmp2:
0x24: {  	s15 =	sadd.s32 $0x2780, s15;
	[sflag:s9] =	ssyncadd.s32 $0xFFFFFB00;
	(pc) =	sbr.rel @p0 .LBB2_6-.Ltmp2, $3  }
0x25: {  	[spmem:s2] =	stream.indirect.scatter.add.f32 [tilespmem:s8], [sflag:$0x1], $0x10, s15, s11, $0xb8;
	[tilespmem:$0x1A380] =	vst v63  }
0x26: {  	s14 =	sadd.s32 $0x200, s14;
	_ =	sdelay $0x1  }
0x27: {  	_ =	swait.ge [sflag:s9], $0x500  }
0x28: {  	[sflag:s9] =	ssyncset.done $0x0;
	s3 =	sadd.s32 $0x1, s3  }
0x29: {  	[sflag:s9] =	ssyncadd.s32 $0xFFFFFB00;
	p0 =	sne.s32 s3, s7  }
.Ltmp3:
0x2a: {  	[bflag:$0x0] =	sbarrier.arrive $0xFFFF;
	(pc) =	sbr.rel @p0 .LBB2_1-.Ltmp3, $4  }
0x2b: {  	[hbm:s6], [sflag:s12] =	dma.local [spmem:s13], $0x2780  }
0x2c: {  	_ =	swait.ge [sflag:s9], $0x2780  }
0x2d: {  	[sflag:s9] =	ssyncset.done $0x0  }
0x2e: {  	[sflag:s9] =	ssyncadd.s32 $0xFFFFD880  }
0x2f: {  	_ =	sfence.sel $0x180000  }
0x30: {  	[bflag:$0x0] =	sbarrier.arrive $0xFFFF  }
0x31: {  	p0 =	sne.s32 s1, $0x0;
	_ =	strace $0x90000047  }
0x32: {  	s0 =	sadd.s32 @!p0 $0x100000, s0;
	[bflag:$0x2] =	sbarrier.arrive $0xFFFF  }
0x33: {  	[sflag:s0] =	ssyncadd.tile.s32 @!p0 $0x1;
	_ =	shalt  }
.Lfunc_end2:
_tile_overlayer_lowered:
.L_overlay_start_2:
0x34: {  	(tag) =	ssettag $0x2  }
0x35: {  	s0 =	rddreg [dreg:$0x0];
	s2 =	stileid.u32  }
0x36: {  	s1 =	rddreg [dreg:$0x1];
	p0 =	sne.s32 s2, $0x0  }
0x37: {  	s3 =	rddreg [dreg:$0x2];
	[bflag:$0x3] =	sbarrier.arrive $0xFFFF;
	s2 =	simm.s32 @!p0 $0x1C01  }
0x38: {  	[timem:s3], [sflag:s2] =	dma.local @!p0 [hbm:s0], s1  }
0x39: {  	s0 =	simm.s32 @!p0 $0x1  }
0x3a: {  	_ =	swait.ge @!p0 [sflag:s0], s1  }
0x3b: {  	s1 =	ssub.s32 @!p0 $0x0, s1;
	[sflag:s0] =	ssyncset.done @!p0 $0x0  }
0x3c: {  	[sflag:s0] =	ssyncadd.s32 @!p0 s1  }
0x3d: {  	[bflag:$0x3] =	sbarrier.arrive $0xFFFF  }
0x3e: {  	_ =	shalt  }

</sc_bundles>
